<compile_context>
chip_gen: v7x
topology: tpu7x:2x2x1
jax: 0.10.2.dev20260603
libtpu: 0.0.44.dev20260713+nightly
codegen_flags: <defaults>
</compile_context>

<pallas_src>
import functools

import numpy as np
import jax
import jax.numpy as jnp
from jax import lax
from jax.experimental import pallas as pl
from jax.experimental.pallas import tpu as pltpu
from jax.experimental.pallas import tpu_sc as plsc

_B = 4096
_NSF = 26
_NF = _NSF + 1
_D = 64
_NW = 32
_ROWS_W = _B * _NSF // _NW
_CHUNK = 128
_NCH = _ROWS_W // _CHUNK
_BB = 512
_WPAD = 448


def _pair_selector() -> np.ndarray:
    s = np.zeros((_NF * 32, _WPAD), np.float32)
    for n in range(_NF - 1):
        off = _D + n * _NSF - (n * (n - 1)) // 2
        for k in range(_NSF - n):
            s[n * 32 + k, off + k] = 1.0
    return s


@functools.cache
def _make_sc_gather():
    mesh = plsc.VectorSubcoreMesh(core_axis_name="c", subcore_axis_name="s")

    @functools.partial(
        pl.kernel,
        out_type=jax.ShapeDtypeStruct((_B * _NSF, _D), jnp.float32),
        mesh=mesh,
        compiler_params=pltpu.CompilerParams(use_tc_tiling_on_sc=False),
        scratch_types=[
            pltpu.VMEM((_NCH, _CHUNK), jnp.int32),
            pltpu.VMEM((_CHUNK, _D), jnp.float32),
            pltpu.VMEM((_CHUNK, _D), jnp.float32),
            pltpu.SemaphoreType.DMA,
            pltpu.SemaphoreType.DMA,
        ],
    )
    def gather_kernel(idx_hbm, table_hbm, out_hbm, idx_v, buf0, buf1, sem0, sem1):
        wid = lax.axis_index("s") * 2 + lax.axis_index("c")
        pltpu.sync_copy(idx_hbm.at[wid], idx_v)
        bufs = (buf0, buf1)
        sems = (sem0, sem1)
        copies = [
            pltpu.make_async_copy(table_hbm.at[idx_v.at[c]], bufs[c % 2], sems[c % 2])
            for c in range(_NCH)
        ]
        copies[0].start()
        for c in range(1, _NCH):
            copies[c].start()
            copies[c - 1].wait()
            pltpu.sync_copy(
                bufs[(c - 1) % 2],
                out_hbm.at[pl.ds(wid * _ROWS_W + (c - 1) * _CHUNK, _CHUNK)])
        copies[_NCH - 1].wait()
        pltpu.sync_copy(
            bufs[(_NCH - 1) % 2],
            out_hbm.at[pl.ds(wid * _ROWS_W + (_NCH - 1) * _CHUNK, _CHUNK)])

    return gather_kernel


def _dotT(w, x):
    return lax.dot_general(w, x, (((0,), (0,)), ((), ())),
                           preferred_element_type=jnp.float32)


def _tc_forward(dense_ref, feats_ref, wb0_ref, b0_ref, wb1_ref, b1_ref,
                wb2_ref, b2_ref, wt0_ref, at4_ref, bt0_ref, wt1_ref, bt1_ref,
                wt2_ref, bt2_ref, out_ref, t3_ref, h_ref):
    f32 = jnp.float32
    dt = jnp.transpose(dense_ref[...])
    xt = jnp.maximum(_dotT(wb0_ref[...], dt) + b0_ref[...], 0.0)
    xt = jnp.maximum(_dotT(wb1_ref[...], xt) + b1_ref[...], 0.0)
    xt = jnp.maximum(_dotT(wb2_ref[...], xt) + b2_ref[...], 0.0)
    t3_ref[0] = xt
    t3_ref[pl.ds(1, _NSF)] = jnp.transpose(feats_ref[...], (0, 2, 1))
    t3_ref[pl.ds(_NF, _NSF)] = jnp.zeros((_NSF, _D, _BB), f32)
    h_ref[...] = _dotT(wt0_ref[pl.ds(0, _D)], xt) + bt0_ref[...]

    def body(n, carry):
        t3n = t3_ref[n]
        prod = t3_ref[pl.ds(n + 1, _NSF)] * t3n[None, :, :]
        zn = jnp.sum(prod, axis=1)
        znp = jnp.concatenate(
            [zn, jnp.zeros((32 - _NSF, _BB), f32)], axis=0)
        h_ref[...] += _dotT(at4_ref[n], znp)
        return carry

    lax.fori_loop(0, _NF - 1, body, 0)
    h = jnp.maximum(h_ref[...], 0.0)
    h = jnp.maximum(_dotT(wt1_ref[...], h) + bt1_ref[...], 0.0)
    y = _dotT(wt2_ref[...], h) + bt2_ref[...]
    out_ref[...] = 1.0 / (1.0 + jnp.exp(-y))


def _tc_call(dense, feats3, wb0, b0, wb1, b1, wb2, b2, wt0p, at4, bt0, wt1,
             bt1, wt2, bt2):
    full = lambda shape: pl.BlockSpec(shape, lambda i: (0,) * len(shape))
    yt = pl.pallas_call(
        _tc_forward,
        grid=(_B // _BB,),
        in_specs=[
            pl.BlockSpec((_BB, 13), lambda i: (i, 0)),
            pl.BlockSpec((_NSF, _BB, _D), lambda i: (0, i, 0)),
            full((13, 512)),
            full((512, 1)),
            full((512, 256)),
            full((256, 1)),
            full((256, _D)),
            full((_D, 1)),
            full((_WPAD, 512)),
            full((_NF, 32, 512)),
            full((512, 1)),
            full((512, 256)),
            full((256, 1)),
            full((256, 1)),
            full((1, 1)),
        ],
        out_specs=pl.BlockSpec((1, _BB), lambda i: (0, i)),
        out_shape=jax.ShapeDtypeStruct((1, _B), jnp.float32),
        scratch_shapes=[
            pltpu.VMEM((_NF + _NSF, _D, _BB), jnp.float32),
            pltpu.VMEM((512, _BB), jnp.float32),
        ],
    )(dense, feats3, wb0, b0, wb1, b1, wb2, b2, wt0p, at4, bt0, wt1, bt1,
      wt2, bt2)
    return yt.reshape(_B, 1)


def kernel(dense, offsets, indices, table, Wb0, bb0, Wb1, bb1, Wb2, bb2,
           Wt0, bt0, Wt1, bt1, Wt2, bt2):
    del offsets
    idx3 = indices.astype(jnp.int32).reshape(_NW, _NCH, _CHUNK)
    wt0p = jnp.pad(Wt0, ((0, _WPAD - Wt0.shape[0]), (0, 0)))
    at4 = jnp.dot(jnp.asarray(_pair_selector()), wt0p).reshape(_NF, 32, 512)
    cvec = lambda v: v.reshape(-1, 1)

    feats = _make_sc_gather()(idx3, table)
    feats3 = feats.reshape(_NSF, _B, _D)

    return _tc_call(dense, feats3, Wb0, cvec(bb0), Wb1, cvec(bb1), Wb2,
                    cvec(bb2), wt0p, at4, cvec(bt0), Wt1, cvec(bt1), Wt2,
                    cvec(bt2))

# --- scband reference (transcript-rebuilt; emitter-appended) ---
"""Pipeline reference for scband-dlrm-net-27582279974968 (READ-ONLY COPY).

The authoritative reference and input builder live on the scoring server;
editing this copy changes nothing except your own understanding.
"""

import jax, jax.numpy as jnp
import numpy as np

B = 4096
ND = 13
NS = 26
D = 64
V = 1000000


def setup_inputs(seed: int = 0):
    key = jax.random.key(seed)
    ks = jax.random.split(key, 16)
    dense = jax.random.normal(ks[0], (B, ND), dtype=jnp.float32)
    indices = jax.random.randint(ks[1], (NS, B), 0, V)
    offsets = jnp.arange(NS * B).reshape(NS, B)
    table = jax.random.normal(ks[2], (V, D), dtype=jnp.float32) * 0.01

    def lin(k, n, m):
        k1, k2 = jax.random.split(k)
        W = jax.random.normal(k1, (n, m), dtype=jnp.float32) * np.sqrt(2.0 / (n + m))
        b = jax.random.normal(k2, (m,), dtype=jnp.float32) * np.sqrt(1.0 / m)
        return W, b

    Wb0, bb0 = lin(ks[3], ND, 512)
    Wb1, bb1 = lin(ks[4], 512, 256)
    Wb2, bb2 = lin(ks[5], 256, D)
    n_int = D + (NS + 1) * NS // 2  # 64 + 351 = 415
    Wt0, bt0 = lin(ks[6], n_int, 512)
    Wt1, bt1 = lin(ks[7], 512, 256)
    Wt2, bt2 = lin(ks[8], 256, 1)
    return {"dense": dense, "offsets": offsets, "indices": indices, "table": table,
            "Wb0": Wb0, "bb0": bb0, "Wb1": Wb1, "bb1": bb1, "Wb2": Wb2, "bb2": bb2,
            "Wt0": Wt0, "bt0": bt0, "Wt1": Wt1, "bt1": bt1, "Wt2": Wt2, "bt2": bt2}


def _forward(dense, table, Wb0, bb0, Wb1, bb1, Wb2, bb2, Wt0, bt0, Wt1, bt1, Wt2, bt2, indices):
    # bottom MLP on dense features
    x = jax.nn.relu(dense @ Wb0 + bb0)
    x = jax.nn.relu(x @ Wb1 + bb1)
    x = jax.nn.relu(x @ Wb2 + bb2)  # [B, D]
    # embedding lookups: one bag of size 1 per (field, sample) -> [NS, B, D]
    feats = jnp.take(table, indices, axis=0)
    # interact_features: stack dense output with sparse embeddings
    T = jnp.concatenate([x[None, :, :], feats], axis=0)  # [NS+1, B, D]
    T = jnp.transpose(T, (1, 0, 2))  # [B, NS+1, D]
    Z = jnp.einsum('bnd,bmd->bnm', T, T)  # batched T @ T^T
    iu, ju = jnp.triu_indices(NS + 1, k=1)
    R = Z[:, iu, ju]  # [B, 351]
    R = jnp.concatenate([x, R], axis=1)  # [B, 415]
    # top MLP with sigmoid on final layer
    y = jax.nn.relu(R @ Wt0 + bt0)
    y = jax.nn.relu(y @ Wt1 + bt1)
    y = jax.nn.sigmoid(y @ Wt2 + bt2)
    return y


def reference(dense, offsets, indices, table, Wb0, bb0, Wb1, bb1, Wb2, bb2, Wt0, bt0, Wt1, bt1, Wt2, bt2):
    # offsets encode trivial bags of size 1 (arange); pooling is identity
    del offsets
    return _forward(dense, table, Wb0, bb0, Wb1, bb1, Wb2, bb2, Wt0, bt0, Wt1, bt1, Wt2, bt2, indices)

if __name__ == "__main__":
    import jax
    _d = setup_inputs()
    print(jax.jit(kernel)(*tuple(_d.values())))

</pallas_src>

<mosaic_0001>
#map = affine_map<(d0, d1) -> (0, 0, 0)>
#map1 = affine_map<(d0, d1) -> (0, 0)>
module attributes {stable_mosaic.version = 14 : i64} {
  func.func @gather_kernel(%arg0: i32, %arg1: i32, %arg2: memref<32x26x128xi32, #tpu.memory_space<hbm>>, %arg3: memref<1000000x64xf32, #tpu.memory_space<hbm>>, %arg4: memref<106496x64xf32, #tpu.memory_space<hbm>>, %arg5: memref<26x128xi32, #tpu.memory_space<vmem>>, %arg6: memref<128x64xf32, #tpu.memory_space<vmem>>, %arg7: memref<128x64xf32, #tpu.memory_space<vmem>>, %arg8: memref<!tpu.dma_semaphore, #tpu.memory_space<semaphore_mem>>, %arg9: memref<!tpu.dma_semaphore, #tpu.memory_space<semaphore_mem>>) attributes {dimension_semantics = [#tpu.dimension_semantics<core_parallel>, #tpu.dimension_semantics<subcore_parallel>], iteration_bounds = array<i64: 2, 16>, scalar_prefetch = 0 : i64, scratch_operands = 5 : i64, tpu.core_type = #tpu.core_type<sc_vector_subcore>, window_params = [{transform_indices = #map}, {transform_indices = #map1}, {transform_indices = #map1}]} {
    %mul3A = arith.constant 2 : i32
    %mul3A_0 = arith.muli %arg1, %mul3A : i32
    %add3A = arith.addi %mul3A_0, %arg0 : i32
    "tpu.region"() ({
      %run_scoped3A = tpu.sem_alloc : memref<!tpu.dma_semaphore, #tpu.memory_space<semaphore_mem>>
      %dma_start3A_467 = arith.constant 0 : i32
      %dma_start3A_468 = arith.constant 0 : i32
      %dma_start3A_469 = tpu.memref_slice %arg2[%add3A, %dma_start3A_467, %dma_start3A_468] : memref<32x26x128xi32, #tpu.memory_space<hbm>> -> memref<1x26x128xi32, #tpu.memory_space<hbm>>
      %dma_start3A_470 = tpu.memref_squeeze %dma_start3A_469 : memref<1x26x128xi32, #tpu.memory_space<hbm>> -> memref<26x128xi32, #tpu.memory_space<hbm>>
      %dma_start3A_471 = arith.constant 0 : i32
      %dma_start3A_472 = arith.constant 0 : i32
      %dma_start3A_473 = tpu.memref_slice %arg2[%add3A, %dma_start3A_471, %dma_start3A_472] : memref<32x26x128xi32, #tpu.memory_space<hbm>> -> memref<1x26x128xi32, #tpu.memory_space<hbm>>
      %dma_start3A_474 = tpu.memref_squeeze %dma_start3A_473 : memref<1x26x128xi32, #tpu.memory_space<hbm>> -> memref<26x128xi32, #tpu.memory_space<hbm>>
      tpu.enqueue_dma source(%dma_start3A_474 : memref<26x128xi32, #tpu.memory_space<hbm>>) target(%arg5 : memref<26x128xi32, #tpu.memory_space<vmem>>) target_semaphore(%run_scoped3A : memref<!tpu.dma_semaphore, #tpu.memory_space<semaphore_mem>>)
      %dma_wait3A_475 = arith.constant 0 : i32
      %dma_wait3A_476 = arith.constant 0 : i32
      %dma_wait3A_477 = tpu.memref_slice %arg2[%add3A, %dma_wait3A_475, %dma_wait3A_476] : memref<32x26x128xi32, #tpu.memory_space<hbm>> -> memref<1x26x128xi32, #tpu.memory_space<hbm>>
      %dma_wait3A_478 = tpu.memref_squeeze %dma_wait3A_477 : memref<1x26x128xi32, #tpu.memory_space<hbm>> -> memref<26x128xi32, #tpu.memory_space<hbm>>
      %dma_wait3A_479 = arith.constant 0 : i32
      %dma_wait3A_480 = arith.constant 0 : i32
      %dma_wait3A_481 = tpu.memref_slice %arg2[%add3A, %dma_wait3A_479, %dma_wait3A_480] : memref<32x26x128xi32, #tpu.memory_space<hbm>> -> memref<1x26x128xi32, #tpu.memory_space<hbm>>
      %dma_wait3A_482 = tpu.memref_squeeze %dma_wait3A_481 : memref<1x26x128xi32, #tpu.memory_space<hbm>> -> memref<26x128xi32, #tpu.memory_space<hbm>>
      tpu.wait_dma2 semaphore(%run_scoped3A : memref<!tpu.dma_semaphore, #tpu.memory_space<semaphore_mem>>) src(%dma_wait3A_482 : memref<26x128xi32, #tpu.memory_space<hbm>>) dst(%arg5 : memref<26x128xi32, #tpu.memory_space<vmem>>)
      tpu.yield
    }) : () -> ()
    %dma_start3A = arith.constant 0 : i32
    %dma_start3A_1 = arith.constant 0 : i32
    %dma_start3A_2 = tpu.memref_slice %arg5[%dma_start3A, %dma_start3A_1] : memref<26x128xi32, #tpu.memory_space<vmem>> -> memref<1x128xi32, #tpu.memory_space<vmem>>
    %dma_start3A_3 = tpu.memref_squeeze %dma_start3A_2 : memref<1x128xi32, #tpu.memory_space<vmem>> -> memref<128xi32, #tpu.memory_space<vmem>>
    %dma_start3A_4 = arith.constant 0 : i32
    %dma_start3A_5 = arith.constant 0 : i32
    %dma_start3A_6 = tpu.memref_slice %arg3[%dma_start3A_4, %dma_start3A_5] : memref<1000000x64xf32, #tpu.memory_space<hbm>> -> memref<1000000x64xf32, #tpu.memory_space<hbm>>
    tpu.enqueue_indirect_dma source(%dma_start3A_6 : memref<1000000x64xf32, #tpu.memory_space<hbm>>) target(%arg6 : memref<128x64xf32, #tpu.memory_space<vmem>>) offsets(%dma_start3A_3 : memref<128xi32, #tpu.memory_space<vmem>>) semaphore(%arg8 : memref<!tpu.dma_semaphore, #tpu.memory_space<semaphore_mem>>)
    %dma_start3A_7 = arith.constant 1 : i32
    %dma_start3A_8 = arith.constant 0 : i32
    %dma_start3A_9 = tpu.memref_slice %arg5[%dma_start3A_7, %dma_start3A_8] : memref<26x128xi32, #tpu.memory_space<vmem>> -> memref<1x128xi32, #tpu.memory_space<vmem>>
    %dma_start3A_10 = tpu.memref_squeeze %dma_start3A_9 : memref<1x128xi32, #tpu.memory_space<vmem>> -> memref<128xi32, #tpu.memory_space<vmem>>
    %dma_start3A_11 = arith.constant 0 : i32
    %dma_start3A_12 = arith.constant 0 : i32
    %dma_start3A_13 = tpu.memref_slice %arg3[%dma_start3A_11, %dma_start3A_12] : memref<1000000x64xf32, #tpu.memory_space<hbm>> -> memref<1000000x64xf32, #tpu.memory_space<hbm>>
    tpu.enqueue_indirect_dma source(%dma_start3A_13 : memref<1000000x64xf32, #tpu.memory_space<hbm>>) target(%arg7 : memref<128x64xf32, #tpu.memory_space<vmem>>) offsets(%dma_start3A_10 : memref<128xi32, #tpu.memory_space<vmem>>) semaphore(%arg9 : memref<!tpu.dma_semaphore, #tpu.memory_space<semaphore_mem>>)
    %dma_wait3A = arith.constant 0 : i32
    %dma_wait3A_14 = arith.constant 0 : i32
    %dma_wait3A_15 = tpu.memref_slice %arg5[%dma_wait3A, %dma_wait3A_14] : memref<26x128xi32, #tpu.memory_space<vmem>> -> memref<1x128xi32, #tpu.memory_space<vmem>>
    %dma_wait3A_16 = tpu.memref_squeeze %dma_wait3A_15 : memref<1x128xi32, #tpu.memory_space<vmem>> -> memref<128xi32, #tpu.memory_space<vmem>>
    %dma_wait3A_17 = arith.constant 0 : i32
    %dma_wait3A_18 = arith.constant 0 : i32
    %dma_wait3A_19 = tpu.memref_slice %arg3[%dma_wait3A_17, %dma_wait3A_18] : memref<1000000x64xf32, #tpu.memory_space<hbm>> -> memref<1000000x64xf32, #tpu.memory_space<hbm>>
    tpu.wait_indirect_dma semaphore(%arg8 : memref<!tpu.dma_semaphore, #tpu.memory_space<semaphore_mem>>) src(%dma_wait3A_19 : memref<1000000x64xf32, #tpu.memory_space<hbm>>) dst(%arg6 : memref<128x64xf32, #tpu.memory_space<vmem>>)
    %mul3A_20 = arith.constant 3328 : i32
    %mul3A_21 = arith.muli %add3A, %mul3A_20 : i32
    %add3A_22 = arith.constant 0 : i32
    %add3A_23 = arith.addi %mul3A_21, %add3A_22 : i32
    "tpu.region"() ({
      %run_scoped3A = tpu.sem_alloc : memref<!tpu.dma_semaphore, #tpu.memory_space<semaphore_mem>>
      %dma_start3A_467 = arith.constant 0 : i32
      %dma_start3A_468 = tpu.memref_slice %arg4[%add3A_23, %dma_start3A_467] : memref<106496x64xf32, #tpu.memory_space<hbm>> -> memref<128x64xf32, #tpu.memory_space<hbm>>
      %dma_start3A_469 = arith.constant 0 : i32
      %dma_start3A_470 = tpu.memref_slice %arg4[%add3A_23, %dma_start3A_469] : memref<106496x64xf32, #tpu.memory_space<hbm>> -> memref<128x64xf32, #tpu.memory_space<hbm>>
      tpu.enqueue_dma source(%arg6 : memref<128x64xf32, #tpu.memory_space<vmem>>) target(%dma_start3A_470 : memref<128x64xf32, #tpu.memory_space<hbm>>) target_semaphore(%run_scoped3A : memref<!tpu.dma_semaphore, #tpu.memory_space<semaphore_mem>>)
      %dma_wait3A_471 = arith.constant 0 : i32
      %dma_wait3A_472 = tpu.memref_slice %arg4[%add3A_23, %dma_wait3A_471] : memref<106496x64xf32, #tpu.memory_space<hbm>> -> memref<128x64xf32, #tpu.memory_space<hbm>>
      %dma_wait3A_473 = arith.constant 0 : i32
      %dma_wait3A_474 = tpu.memref_slice %arg4[%add3A_23, %dma_wait3A_473] : memref<106496x64xf32, #tpu.memory_space<hbm>> -> memref<128x64xf32, #tpu.memory_space<hbm>>
      tpu.wait_dma2 semaphore(%run_scoped3A : memref<!tpu.dma_semaphore, #tpu.memory_space<semaphore_mem>>) src(%arg6 : memref<128x64xf32, #tpu.memory_space<vmem>>) dst(%dma_wait3A_474 : memref<128x64xf32, #tpu.memory_space<hbm>>)
      tpu.yield
    }) : () -> ()
    %dma_start3A_24 = arith.constant 2 : i32
    %dma_start3A_25 = arith.constant 0 : i32
    %dma_start3A_26 = tpu.memref_slice %arg5[%dma_start3A_24, %dma_start3A_25] : memref<26x128xi32, #tpu.memory_space<vmem>> -> memref<1x128xi32, #tpu.memory_space<vmem>>
    %dma_start3A_27 = tpu.memref_squeeze %dma_start3A_26 : memref<1x128xi32, #tpu.memory_space<vmem>> -> memref<128xi32, #tpu.memory_space<vmem>>
    %dma_start3A_28 = arith.constant 0 : i32
    %dma_start3A_29 = arith.constant 0 : i32
    %dma_start3A_30 = tpu.memref_slice %arg3[%dma_start3A_28, %dma_start3A_29] : memref<1000000x64xf32, #tpu.memory_space<hbm>> -> memref<1000000x64xf32, #tpu.memory_space<hbm>>
    tpu.enqueue_indirect_dma source(%dma_start3A_30 : memref<1000000x64xf32, #tpu.memory_space<hbm>>) target(%arg6 : memref<128x64xf32, #tpu.memory_space<vmem>>) offsets(%dma_start3A_27 : memref<128xi32, #tpu.memory_space<vmem>>) semaphore(%arg8 : memref<!tpu.dma_semaphore, #tpu.memory_space<semaphore_mem>>)
    %dma_wait3A_31 = arith.constant 1 : i32
    %dma_wait3A_32 = arith.constant 0 : i32
    %dma_wait3A_33 = tpu.memref_slice %arg5[%dma_wait3A_31, %dma_wait3A_32] : memref<26x128xi32, #tpu.memory_space<vmem>> -> memref<1x128xi32, #tpu.memory_space<vmem>>
    %dma_wait3A_34 = tpu.memref_squeeze %dma_wait3A_33 : memref<1x128xi32, #tpu.memory_space<vmem>> -> memref<128xi32, #tpu.memory_space<vmem>>
    %dma_wait3A_35 = arith.constant 0 : i32
    %dma_wait3A_36 = arith.constant 0 : i32
    %dma_wait3A_37 = tpu.memref_slice %arg3[%dma_wait3A_35, %dma_wait3A_36] : memref<1000000x64xf32, #tpu.memory_space<hbm>> -> memref<1000000x64xf32, #tpu.memory_space<hbm>>
    tpu.wait_indirect_dma semaphore(%arg9 : memref<!tpu.dma_semaphore, #tpu.memory_space<semaphore_mem>>) src(%dma_wait3A_37 : memref<1000000x64xf32, #tpu.memory_space<hbm>>) dst(%arg7 : memref<128x64xf32, #tpu.memory_space<vmem>>)
    %mul3A_38 = arith.constant 3328 : i32
    %mul3A_39 = arith.muli %add3A, %mul3A_38 : i32
    %add3A_40 = arith.constant 128 : i32
    %add3A_41 = arith.addi %mul3A_39, %add3A_40 : i32
    "tpu.region"() ({
      %run_scoped3A = tpu.sem_alloc : memref<!tpu.dma_semaphore, #tpu.memory_space<semaphore_mem>>
      %dma_start3A_467 = arith.constant 0 : i32
      %dma_start3A_468 = tpu.memref_slice %arg4[%add3A_41, %dma_start3A_467] : memref<106496x64xf32, #tpu.memory_space<hbm>> -> memref<128x64xf32, #tpu.memory_space<hbm>>
      %dma_start3A_469 = arith.constant 0 : i32
      %dma_start3A_470 = tpu.memref_slice %arg4[%add3A_41, %dma_start3A_469] : memref<106496x64xf32, #tpu.memory_space<hbm>> -> memref<128x64xf32, #tpu.memory_space<hbm>>
      tpu.enqueue_dma source(%arg7 : memref<128x64xf32, #tpu.memory_space<vmem>>) target(%dma_start3A_470 : memref<128x64xf32, #tpu.memory_space<hbm>>) target_semaphore(%run_scoped3A : memref<!tpu.dma_semaphore, #tpu.memory_space<semaphore_mem>>)
      %dma_wait3A_471 = arith.constant 0 : i32
      %dma_wait3A_472 = tpu.memref_slice %arg4[%add3A_41, %dma_wait3A_471] : memref<106496x64xf32, #tpu.memory_space<hbm>> -> memref<128x64xf32, #tpu.memory_space<hbm>>
      %dma_wait3A_473 = arith.constant 0 : i32
      %dma_wait3A_474 = tpu.memref_slice %arg4[%add3A_41, %dma_wait3A_473] : memref<106496x64xf32, #tpu.memory_space<hbm>> -> memref<128x64xf32, #tpu.memory_space<hbm>>
      tpu.wait_dma2 semaphore(%run_scoped3A : memref<!tpu.dma_semaphore, #tpu.memory_space<semaphore_mem>>) src(%arg7 : memref<128x64xf32, #tpu.memory_space<vmem>>) dst(%dma_wait3A_474 : memref<128x64xf32, #tpu.memory_space<hbm>>)
      tpu.yield
    }) : () -> ()
    %dma_start3A_42 = arith.constant 3 : i32
    %dma_start3A_43 = arith.constant 0 : i32
    %dma_start3A_44 = tpu.memref_slice %arg5[%dma_start3A_42, %dma_start3A_43] : memref<26x128xi32, #tpu.memory_space<vmem>> -> memref<1x128xi32, #tpu.memory_space<vmem>>
    %dma_start3A_45 = tpu.memref_squeeze %dma_start3A_44 : memref<1x128xi32, #tpu.memory_space<vmem>> -> memref<128xi32, #tpu.memory_space<vmem>>
    %dma_start3A_46 = arith.constant 0 : i32
    %dma_start3A_47 = arith.constant 0 : i32
    %dma_start3A_48 = tpu.memref_slice %arg3[%dma_start3A_46, %dma_start3A_47] : memref<1000000x64xf32, #tpu.memory_space<hbm>> -> memref<1000000x64xf32, #tpu.memory_space<hbm>>
    tpu.enqueue_indirect_dma source(%dma_start3A_48 : memref<1000000x64xf32, #tpu.memory_space<hbm>>) target(%arg7 : memref<128x64xf32, #tpu.memory_space<vmem>>) offsets(%dma_start3A_45 : memref<128xi32, #tpu.memory_space<vmem>>) semaphore(%arg9 : memref<!tpu.dma_semaphore, #tpu.memory_space<semaphore_mem>>)
    %dma_wait3A_49 = arith.constant 2 : i32
    %dma_wait3A_50 = arith.constant 0 : i32
    %dma_wait3A_51 = tpu.memref_slice %arg5[%dma_wait3A_49, %dma_wait3A_50] : memref<26x128xi32, #tpu.memory_space<vmem>> -> memref<1x128xi32, #tpu.memory_space<vmem>>
    %dma_wait3A_52 = tpu.memref_squeeze %dma_wait3A_51 : memref<1x128xi32, #tpu.memory_space<vmem>> -> memref<128xi32, #tpu.memory_space<vmem>>
    %dma_wait3A_53 = arith.constant 0 : i32
    %dma_wait3A_54 = arith.constant 0 : i32
    %dma_wait3A_55 = tpu.memref_slice %arg3[%dma_wait3A_53, %dma_wait3A_54] : memref<1000000x64xf32, #tpu.memory_space<hbm>> -> memref<1000000x64xf32, #tpu.memory_space<hbm>>
    tpu.wait_indirect_dma semaphore(%arg8 : memref<!tpu.dma_semaphore, #tpu.memory_space<semaphore_mem>>) src(%dma_wait3A_55 : memref<1000000x64xf32, #tpu.memory_space<hbm>>) dst(%arg6 : memref<128x64xf32, #tpu.memory_space<vmem>>)
    %mul3A_56 = arith.constant 3328 : i32
    %mul3A_57 = arith.muli %add3A, %mul3A_56 : i32
    %add3A_58 = arith.constant 256 : i32
    %add3A_59 = arith.addi %mul3A_57, %add3A_58 : i32
    "tpu.region"() ({
      %run_scoped3A = tpu.sem_alloc : memref<!tpu.dma_semaphore, #tpu.memory_space<semaphore_mem>>
      %dma_start3A_467 = arith.constant 0 : i32
      %dma_start3A_468 = tpu.memref_slice %arg4[%add3A_59, %dma_start3A_467] : memref<106496x64xf32, #tpu.memory_space<hbm>> -> memref<128x64xf32, #tpu.memory_space<hbm>>
      %dma_start3A_469 = arith.constant 0 : i32
      %dma_start3A_470 = tpu.memref_slice %arg4[%add3A_59, %dma_start3A_469] : memref<106496x64xf32, #tpu.memory_space<hbm>> -> memref<128x64xf32, #tpu.memory_space<hbm>>
      tpu.enqueue_dma source(%arg6 : memref<128x64xf32, #tpu.memory_space<vmem>>) target(%dma_start3A_470 : memref<128x64xf32, #tpu.memory_space<hbm>>) target_semaphore(%run_scoped3A : memref<!tpu.dma_semaphore, #tpu.memory_space<semaphore_mem>>)
      %dma_wait3A_471 = arith.constant 0 : i32
      %dma_wait3A_472 = tpu.memref_slice %arg4[%add3A_59, %dma_wait3A_471] : memref<106496x64xf32, #tpu.memory_space<hbm>> -> memref<128x64xf32, #tpu.memory_space<hbm>>
      %dma_wait3A_473 = arith.constant 0 : i32
      %dma_wait3A_474 = tpu.memref_slice %arg4[%add3A_59, %dma_wait3A_473] : memref<106496x64xf32, #tpu.memory_space<hbm>> -> memref<128x64xf32, #tpu.memory_space<hbm>>
      tpu.wait_dma2 semaphore(%run_scoped3A : memref<!tpu.dma_semaphore, #tpu.memory_space<semaphore_mem>>) src(%arg6 : memref<128x64xf32, #tpu.memory_space<vmem>>) dst(%dma_wait3A_474 : memref<128x64xf32, #tpu.memory_space<hbm>>)
      tpu.yield
    }) : () -> ()
    %dma_start3A_60 = arith.constant 4 : i32
    %dma_start3A_61 = arith.constant 0 : i32
    %dma_start3A_62 = tpu.memref_slice %arg5[%dma_start3A_60, %dma_start3A_61] : memref<26x128xi32, #tpu.memory_space<vmem>> -> memref<1x128xi32, #tpu.memory_space<vmem>>
    %dma_start3A_63 = tpu.memref_squeeze %dma_start3A_62 : memref<1x128xi32, #tpu.memory_space<vmem>> -> memref<128xi32, #tpu.memory_space<vmem>>
    %dma_start3A_64 = arith.constant 0 : i32
    %dma_start3A_65 = arith.constant 0 : i32
    %dma_start3A_66 = tpu.memref_slice %arg3[%dma_start3A_64, %dma_start3A_65] : memref<1000000x64xf32, #tpu.memory_space<hbm>> -> memref<1000000x64xf32, #tpu.memory_space<hbm>>
    tpu.enqueue_indirect_dma source(%dma_start3A_66 : memref<1000000x64xf32, #tpu.memory_space<hbm>>) target(%arg6 : memref<128x64xf32, #tpu.memory_space<vmem>>) offsets(%dma_start3A_63 : memref<128xi32, #tpu.memory_space<vmem>>) semaphore(%arg8 : memref<!tpu.dma_semaphore, #tpu.memory_space<semaphore_mem>>)
    %dma_wait3A_67 = arith.constant 3 : i32
    %dma_wait3A_68 = arith.constant 0 : i32
    %dma_wait3A_69 = tpu.memref_slice %arg5[%dma_wait3A_67, %dma_wait3A_68] : memref<26x128xi32, #tpu.memory_space<vmem>> -> memref<1x128xi32, #tpu.memory_space<vmem>>
    %dma_wait3A_70 = tpu.memref_squeeze %dma_wait3A_69 : memref<1x128xi32, #tpu.memory_space<vmem>> -> memref<128xi32, #tpu.memory_space<vmem>>
    %dma_wait3A_71 = arith.constant 0 : i32
    %dma_wait3A_72 = arith.constant 0 : i32
    %dma_wait3A_73 = tpu.memref_slice %arg3[%dma_wait3A_71, %dma_wait3A_72] : memref<1000000x64xf32, #tpu.memory_space<hbm>> -> memref<1000000x64xf32, #tpu.memory_space<hbm>>
    tpu.wait_indirect_dma semaphore(%arg9 : memref<!tpu.dma_semaphore, #tpu.memory_space<semaphore_mem>>) src(%dma_wait3A_73 : memref<1000000x64xf32, #tpu.memory_space<hbm>>) dst(%arg7 : memref<128x64xf32, #tpu.memory_space<vmem>>)
    %mul3A_74 = arith.constant 3328 : i32
    %mul3A_75 = arith.muli %add3A, %mul3A_74 : i32
    %add3A_76 = arith.constant 384 : i32
    %add3A_77 = arith.addi %mul3A_75, %add3A_76 : i32
    "tpu.region"() ({
      %run_scoped3A = tpu.sem_alloc : memref<!tpu.dma_semaphore, #tpu.memory_space<semaphore_mem>>
      %dma_start3A_467 = arith.constant 0 : i32
      %dma_start3A_468 = tpu.memref_slice %arg4[%add3A_77, %dma_start3A_467] : memref<106496x64xf32, #tpu.memory_space<hbm>> -> memref<128x64xf32, #tpu.memory_space<hbm>>
      %dma_start3A_469 = arith.constant 0 : i32
      %dma_start3A_470 = tpu.memref_slice %arg4[%add3A_77, %dma_start3A_469] : memref<106496x64xf32, #tpu.memory_space<hbm>> -> memref<128x64xf32, #tpu.memory_space<hbm>>
      tpu.enqueue_dma source(%arg7 : memref<128x64xf32, #tpu.memory_space<vmem>>) target(%dma_start3A_470 : memref<128x64xf32, #tpu.memory_space<hbm>>) target_semaphore(%run_scoped3A : memref<!tpu.dma_semaphore, #tpu.memory_space<semaphore_mem>>)
      %dma_wait3A_471 = arith.constant 0 : i32
      %dma_wait3A_472 = tpu.memref_slice %arg4[%add3A_77, %dma_wait3A_471] : memref<106496x64xf32, #tpu.memory_space<hbm>> -> memref<128x64xf32, #tpu.memory_space<hbm>>
      %dma_wait3A_473 = arith.constant 0 : i32
      %dma_wait3A_474 = tpu.memref_slice %arg4[%add3A_77, %dma_wait3A_473] : memref<106496x64xf32, #tpu.memory_space<hbm>> -> memref<128x64xf32, #tpu.memory_space<hbm>>
      tpu.wait_dma2 semaphore(%run_scoped3A : memref<!tpu.dma_semaphore, #tpu.memory_space<semaphore_mem>>) src(%arg7 : memref<128x64xf32, #tpu.memory_space<vmem>>) dst(%dma_wait3A_474 : memref<128x64xf32, #tpu.memory_space<hbm>>)
      tpu.yield
    }) : () -> ()
    %dma_start3A_78 = arith.constant 5 : i32
    %dma_start3A_79 = arith.constant 0 : i32
    %dma_start3A_80 = tpu.memref_slice %arg5[%dma_start3A_78, %dma_start3A_79] : memref<26x128xi32, #tpu.memory_space<vmem>> -> memref<1x128xi32, #tpu.memory_space<vmem>>
    %dma_start3A_81 = tpu.memref_squeeze %dma_start3A_80 : memref<1x128xi32, #tpu.memory_space<vmem>> -> memref<128xi32, #tpu.memory_space<vmem>>
    %dma_start3A_82 = arith.constant 0 : i32
    %dma_start3A_83 = arith.constant 0 : i32
    %dma_start3A_84 = tpu.memref_slice %arg3[%dma_start3A_82, %dma_start3A_83] : memref<1000000x64xf32, #tpu.memory_space<hbm>> -> memref<1000000x64xf32, #tpu.memory_space<hbm>>
    tpu.enqueue_indirect_dma source(%dma_start3A_84 : memref<1000000x64xf32, #tpu.memory_space<hbm>>) target(%arg7 : memref<128x64xf32, #tpu.memory_space<vmem>>) offsets(%dma_start3A_81 : memref<128xi32, #tpu.memory_space<vmem>>) semaphore(%arg9 : memref<!tpu.dma_semaphore, #tpu.memory_space<semaphore_mem>>)
    %dma_wait3A_85 = arith.constant 4 : i32
    %dma_wait3A_86 = arith.constant 0 : i32
    %dma_wait3A_87 = tpu.memref_slice %arg5[%dma_wait3A_85, %dma_wait3A_86] : memref<26x128xi32, #tpu.memory_space<vmem>> -> memref<1x128xi32, #tpu.memory_space<vmem>>
    %dma_wait3A_88 = tpu.memref_squeeze %dma_wait3A_87 : memref<1x128xi32, #tpu.memory_space<vmem>> -> memref<128xi32, #tpu.memory_space<vmem>>
    %dma_wait3A_89 = arith.constant 0 : i32
    %dma_wait3A_90 = arith.constant 0 : i32
    %dma_wait3A_91 = tpu.memref_slice %arg3[%dma_wait3A_89, %dma_wait3A_90] : memref<1000000x64xf32, #tpu.memory_space<hbm>> -> memref<1000000x64xf32, #tpu.memory_space<hbm>>
    tpu.wait_indirect_dma semaphore(%arg8 : memref<!tpu.dma_semaphore, #tpu.memory_space<semaphore_mem>>) src(%dma_wait3A_91 : memref<1000000x64xf32, #tpu.memory_space<hbm>>) dst(%arg6 : memref<128x64xf32, #tpu.memory_space<vmem>>)
    %mul3A_92 = arith.constant 3328 : i32
    %mul3A_93 = arith.muli %add3A, %mul3A_92 : i32
    %add3A_94 = arith.constant 512 : i32
    %add3A_95 = arith.addi %mul3A_93, %add3A_94 : i32
    "tpu.region"() ({
      %run_scoped3A = tpu.sem_alloc : memref<!tpu.dma_semaphore, #tpu.memory_space<semaphore_mem>>
      %dma_start3A_467 = arith.constant 0 : i32
      %dma_start3A_468 = tpu.memref_slice %arg4[%add3A_95, %dma_start3A_467] : memref<106496x64xf32, #tpu.memory_space<hbm>> -> memref<128x64xf32, #tpu.memory_space<hbm>>
      %dma_start3A_469 = arith.constant 0 : i32
      %dma_start3A_470 = tpu.memref_slice %arg4[%add3A_95, %dma_start3A_469] : memref<106496x64xf32, #tpu.memory_space<hbm>> -> memref<128x64xf32, #tpu.memory_space<hbm>>
      tpu.enqueue_dma source(%arg6 : memref<128x64xf32, #tpu.memory_space<vmem>>) target(%dma_start3A_470 : memref<128x64xf32, #tpu.memory_space<hbm>>) target_semaphore(%run_scoped3A : memref<!tpu.dma_semaphore, #tpu.memory_space<semaphore_mem>>)
      %dma_wait3A_471 = arith.constant 0 : i32
      %dma_wait3A_472 = tpu.memref_slice %arg4[%add3A_95, %dma_wait3A_471] : memref<106496x64xf32, #tpu.memory_space<hbm>> -> memref<128x64xf32, #tpu.memory_space<hbm>>
      %dma_wait3A_473 = arith.constant 0 : i32
      %dma_wait3A_474 = tpu.memref_slice %arg4[%add3A_95, %dma_wait3A_473] : memref<106496x64xf32, #tpu.memory_space<hbm>> -> memref<128x64xf32, #tpu.memory_space<hbm>>
      tpu.wait_dma2 semaphore(%run_scoped3A : memref<!tpu.dma_semaphore, #tpu.memory_space<semaphore_mem>>) src(%arg6 : memref<128x64xf32, #tpu.memory_space<vmem>>) dst(%dma_wait3A_474 : memref<128x64xf32, #tpu.memory_space<hbm>>)
      tpu.yield
    }) : () -> ()
    %dma_start3A_96 = arith.constant 6 : i32
    %dma_start3A_97 = arith.constant 0 : i32
    %dma_start3A_98 = tpu.memref_slice %arg5[%dma_start3A_96, %dma_start3A_97] : memref<26x128xi32, #tpu.memory_space<vmem>> -> memref<1x128xi32, #tpu.memory_space<vmem>>
    %dma_start3A_99 = tpu.memref_squeeze %dma_start3A_98 : memref<1x128xi32, #tpu.memory_space<vmem>> -> memref<128xi32, #tpu.memory_space<vmem>>
    %dma_start3A_100 = arith.constant 0 : i32
    %dma_start3A_101 = arith.constant 0 : i32
    %dma_start3A_102 = tpu.memref_slice %arg3[%dma_start3A_100, %dma_start3A_101] : memref<1000000x64xf32, #tpu.memory_space<hbm>> -> memref<1000000x64xf32, #tpu.memory_space<hbm>>
    tpu.enqueue_indirect_dma source(%dma_start3A_102 : memref<1000000x64xf32, #tpu.memory_space<hbm>>) target(%arg6 : memref<128x64xf32, #tpu.memory_space<vmem>>) offsets(%dma_start3A_99 : memref<128xi32, #tpu.memory_space<vmem>>) semaphore(%arg8 : memref<!tpu.dma_semaphore, #tpu.memory_space<semaphore_mem>>)
    %dma_wait3A_103 = arith.constant 5 : i32
    %dma_wait3A_104 = arith.constant 0 : i32
    %dma_wait3A_105 = tpu.memref_slice %arg5[%dma_wait3A_103, %dma_wait3A_104] : memref<26x128xi32, #tpu.memory_space<vmem>> -> memref<1x128xi32, #tpu.memory_space<vmem>>
    %dma_wait3A_106 = tpu.memref_squeeze %dma_wait3A_105 : memref<1x128xi32, #tpu.memory_space<vmem>> -> memref<128xi32, #tpu.memory_space<vmem>>
    %dma_wait3A_107 = arith.constant 0 : i32
    %dma_wait3A_108 = arith.constant 0 : i32
    %dma_wait3A_109 = tpu.memref_slice %arg3[%dma_wait3A_107, %dma_wait3A_108] : memref<1000000x64xf32, #tpu.memory_space<hbm>> -> memref<1000000x64xf32, #tpu.memory_space<hbm>>
    tpu.wait_indirect_dma semaphore(%arg9 : memref<!tpu.dma_semaphore, #tpu.memory_space<semaphore_mem>>) src(%dma_wait3A_109 : memref<1000000x64xf32, #tpu.memory_space<hbm>>) dst(%arg7 : memref<128x64xf32, #tpu.memory_space<vmem>>)
    %mul3A_110 = arith.constant 3328 : i32
    %mul3A_111 = arith.muli %add3A, %mul3A_110 : i32
    %add3A_112 = arith.constant 640 : i32
    %add3A_113 = arith.addi %mul3A_111, %add3A_112 : i32
    "tpu.region"() ({
      %run_scoped3A = tpu.sem_alloc : memref<!tpu.dma_semaphore, #tpu.memory_space<semaphore_mem>>
      %dma_start3A_467 = arith.constant 0 : i32
      %dma_start3A_468 = tpu.memref_slice %arg4[%add3A_113, %dma_start3A_467] : memref<106496x64xf32, #tpu.memory_space<hbm>> -> memref<128x64xf32, #tpu.memory_space<hbm>>
      %dma_start3A_469 = arith.constant 0 : i32
      %dma_start3A_470 = tpu.memref_slice %arg4[%add3A_113, %dma_start3A_469] : memref<106496x64xf32, #tpu.memory_space<hbm>> -> memref<128x64xf32, #tpu.memory_space<hbm>>
      tpu.enqueue_dma source(%arg7 : memref<128x64xf32, #tpu.memory_space<vmem>>) target(%dma_start3A_470 : memref<128x64xf32, #tpu.memory_space<hbm>>) target_semaphore(%run_scoped3A : memref<!tpu.dma_semaphore, #tpu.memory_space<semaphore_mem>>)
      %dma_wait3A_471 = arith.constant 0 : i32
      %dma_wait3A_472 = tpu.memref_slice %arg4[%add3A_113, %dma_wait3A_471] : memref<106496x64xf32, #tpu.memory_space<hbm>> -> memref<128x64xf32, #tpu.memory_space<hbm>>
      %dma_wait3A_473 = arith.constant 0 : i32
      %dma_wait3A_474 = tpu.memref_slice %arg4[%add3A_113, %dma_wait3A_473] : memref<106496x64xf32, #tpu.memory_space<hbm>> -> memref<128x64xf32, #tpu.memory_space<hbm>>
      tpu.wait_dma2 semaphore(%run_scoped3A : memref<!tpu.dma_semaphore, #tpu.memory_space<semaphore_mem>>) src(%arg7 : memref<128x64xf32, #tpu.memory_space<vmem>>) dst(%dma_wait3A_474 : memref<128x64xf32, #tpu.memory_space<hbm>>)
      tpu.yield
    }) : () -> ()
    %dma_start3A_114 = arith.constant 7 : i32
    %dma_start3A_115 = arith.constant 0 : i32
    %dma_start3A_116 = tpu.memref_slice %arg5[%dma_start3A_114, %dma_start3A_115] : memref<26x128xi32, #tpu.memory_space<vmem>> -> memref<1x128xi32, #tpu.memory_space<vmem>>
    %dma_start3A_117 = tpu.memref_squeeze %dma_start3A_116 : memref<1x128xi32, #tpu.memory_space<vmem>> -> memref<128xi32, #tpu.memory_space<vmem>>
    %dma_start3A_118 = arith.constant 0 : i32
    %dma_start3A_119 = arith.constant 0 : i32
    %dma_start3A_120 = tpu.memref_slice %arg3[%dma_start3A_118, %dma_start3A_119] : memref<1000000x64xf32, #tpu.memory_space<hbm>> -> memref<1000000x64xf32, #tpu.memory_space<hbm>>
    tpu.enqueue_indirect_dma source(%dma_start3A_120 : memref<1000000x64xf32, #tpu.memory_space<hbm>>) target(%arg7 : memref<128x64xf32, #tpu.memory_space<vmem>>) offsets(%dma_start3A_117 : memref<128xi32, #tpu.memory_space<vmem>>) semaphore(%arg9 : memref<!tpu.dma_semaphore, #tpu.memory_space<semaphore_mem>>)
    %dma_wait3A_121 = arith.constant 6 : i32
    %dma_wait3A_122 = arith.constant 0 : i32
    %dma_wait3A_123 = tpu.memref_slice %arg5[%dma_wait3A_121, %dma_wait3A_122] : memref<26x128xi32, #tpu.memory_space<vmem>> -> memref<1x128xi32, #tpu.memory_space<vmem>>
    %dma_wait3A_124 = tpu.memref_squeeze %dma_wait3A_123 : memref<1x128xi32, #tpu.memory_space<vmem>> -> memref<128xi32, #tpu.memory_space<vmem>>
    %dma_wait3A_125 = arith.constant 0 : i32
    %dma_wait3A_126 = arith.constant 0 : i32
    %dma_wait3A_127 = tpu.memref_slice %arg3[%dma_wait3A_125, %dma_wait3A_126] : memref<1000000x64xf32, #tpu.memory_space<hbm>> -> memref<1000000x64xf32, #tpu.memory_space<hbm>>
    tpu.wait_indirect_dma semaphore(%arg8 : memref<!tpu.dma_semaphore, #tpu.memory_space<semaphore_mem>>) src(%dma_wait3A_127 : memref<1000000x64xf32, #tpu.memory_space<hbm>>) dst(%arg6 : memref<128x64xf32, #tpu.memory_space<vmem>>)
    %mul3A_128 = arith.constant 3328 : i32
    %mul3A_129 = arith.muli %add3A, %mul3A_128 : i32
    %add3A_130 = arith.constant 768 : i32
    %add3A_131 = arith.addi %mul3A_129, %add3A_130 : i32
    "tpu.region"() ({
      %run_scoped3A = tpu.sem_alloc : memref<!tpu.dma_semaphore, #tpu.memory_space<semaphore_mem>>
      %dma_start3A_467 = arith.constant 0 : i32
      %dma_start3A_468 = tpu.memref_slice %arg4[%add3A_131, %dma_start3A_467] : memref<106496x64xf32, #tpu.memory_space<hbm>> -> memref<128x64xf32, #tpu.memory_space<hbm>>
      %dma_start3A_469 = arith.constant 0 : i32
      %dma_start3A_470 = tpu.memref_slice %arg4[%add3A_131, %dma_start3A_469] : memref<106496x64xf32, #tpu.memory_space<hbm>> -> memref<128x64xf32, #tpu.memory_space<hbm>>
      tpu.enqueue_dma source(%arg6 : memref<128x64xf32, #tpu.memory_space<vmem>>) target(%dma_start3A_470 : memref<128x64xf32, #tpu.memory_space<hbm>>) target_semaphore(%run_scoped3A : memref<!tpu.dma_semaphore, #tpu.memory_space<semaphore_mem>>)
      %dma_wait3A_471 = arith.constant 0 : i32
      %dma_wait3A_472 = tpu.memref_slice %arg4[%add3A_131, %dma_wait3A_471] : memref<106496x64xf32, #tpu.memory_space<hbm>> -> memref<128x64xf32, #tpu.memory_space<hbm>>
      %dma_wait3A_473 = arith.constant 0 : i32
      %dma_wait3A_474 = tpu.memref_slice %arg4[%add3A_131, %dma_wait3A_473] : memref<106496x64xf32, #tpu.memory_space<hbm>> -> memref<128x64xf32, #tpu.memory_space<hbm>>
      tpu.wait_dma2 semaphore(%run_scoped3A : memref<!tpu.dma_semaphore, #tpu.memory_space<semaphore_mem>>) src(%arg6 : memref<128x64xf32, #tpu.memory_space<vmem>>) dst(%dma_wait3A_474 : memref<128x64xf32, #tpu.memory_space<hbm>>)
      tpu.yield
    }) : () -> ()
    %dma_start3A_132 = arith.constant 8 : i32
    %dma_start3A_133 = arith.constant 0 : i32
    %dma_start3A_134 = tpu.memref_slice %arg5[%dma_start3A_132, %dma_start3A_133] : memref<26x128xi32, #tpu.memory_space<vmem>> -> memref<1x128xi32, #tpu.memory_space<vmem>>
    %dma_start3A_135 = tpu.memref_squeeze %dma_start3A_134 : memref<1x128xi32, #tpu.memory_space<vmem>> -> memref<128xi32, #tpu.memory_space<vmem>>
    %dma_start3A_136 = arith.constant 0 : i32
    %dma_start3A_137 = arith.constant 0 : i32
    %dma_start3A_138 = tpu.memref_slice %arg3[%dma_start3A_136, %dma_start3A_137] : memref<1000000x64xf32, #tpu.memory_space<hbm>> -> memref<1000000x64xf32, #tpu.memory_space<hbm>>
    tpu.enqueue_indirect_dma source(%dma_start3A_138 : memref<1000000x64xf32, #tpu.memory_space<hbm>>) target(%arg6 : memref<128x64xf32, #tpu.memory_space<vmem>>) offsets(%dma_start3A_135 : memref<128xi32, #tpu.memory_space<vmem>>) semaphore(%arg8 : memref<!tpu.dma_semaphore, #tpu.memory_space<semaphore_mem>>)
    %dma_wait3A_139 = arith.constant 7 : i32
    %dma_wait3A_140 = arith.constant 0 : i32
    %dma_wait3A_141 = tpu.memref_slice %arg5[%dma_wait3A_139, %dma_wait3A_140] : memref<26x128xi32, #tpu.memory_space<vmem>> -> memref<1x128xi32, #tpu.memory_space<vmem>>
    %dma_wait3A_142 = tpu.memref_squeeze %dma_wait3A_141 : memref<1x128xi32, #tpu.memory_space<vmem>> -> memref<128xi32, #tpu.memory_space<vmem>>
    %dma_wait3A_143 = arith.constant 0 : i32
    %dma_wait3A_144 = arith.constant 0 : i32
    %dma_wait3A_145 = tpu.memref_slice %arg3[%dma_wait3A_143, %dma_wait3A_144] : memref<1000000x64xf32, #tpu.memory_space<hbm>> -> memref<1000000x64xf32, #tpu.memory_space<hbm>>
    tpu.wait_indirect_dma semaphore(%arg9 : memref<!tpu.dma_semaphore, #tpu.memory_space<semaphore_mem>>) src(%dma_wait3A_145 : memref<1000000x64xf32, #tpu.memory_space<hbm>>) dst(%arg7 : memref<128x64xf32, #tpu.memory_space<vmem>>)
    %mul3A_146 = arith.constant 3328 : i32
    %mul3A_147 = arith.muli %add3A, %mul3A_146 : i32
    %add3A_148 = arith.constant 896 : i32
    %add3A_149 = arith.addi %mul3A_147, %add3A_148 : i32
    "tpu.region"() ({
      %run_scoped3A = tpu.sem_alloc : memref<!tpu.dma_semaphore, #tpu.memory_space<semaphore_mem>>
      %dma_start3A_467 = arith.constant 0 : i32
      %dma_start3A_468 = tpu.memref_slice %arg4[%add3A_149, %dma_start3A_467] : memref<106496x64xf32, #tpu.memory_space<hbm>> -> memref<128x64xf32, #tpu.memory_space<hbm>>
      %dma_start3A_469 = arith.constant 0 : i32
      %dma_start3A_470 = tpu.memref_slice %arg4[%add3A_149, %dma_start3A_469] : memref<106496x64xf32, #tpu.memory_space<hbm>> -> memref<128x64xf32, #tpu.memory_space<hbm>>
      tpu.enqueue_dma source(%arg7 : memref<128x64xf32, #tpu.memory_space<vmem>>) target(%dma_start3A_470 : memref<128x64xf32, #tpu.memory_space<hbm>>) target_semaphore(%run_scoped3A : memref<!tpu.dma_semaphore, #tpu.memory_space<semaphore_mem>>)
      %dma_wait3A_471 = arith.constant 0 : i32
      %dma_wait3A_472 = tpu.memref_slice %arg4[%add3A_149, %dma_wait3A_471] : memref<106496x64xf32, #tpu.memory_space<hbm>> -> memref<128x64xf32, #tpu.memory_space<hbm>>
      %dma_wait3A_473 = arith.constant 0 : i32
      %dma_wait3A_474 = tpu.memref_slice %arg4[%add3A_149, %dma_wait3A_473] : memref<106496x64xf32, #tpu.memory_space<hbm>> -> memref<128x64xf32, #tpu.memory_space<hbm>>
      tpu.wait_dma2 semaphore(%run_scoped3A : memref<!tpu.dma_semaphore, #tpu.memory_space<semaphore_mem>>) src(%arg7 : memref<128x64xf32, #tpu.memory_space<vmem>>) dst(%dma_wait3A_474 : memref<128x64xf32, #tpu.memory_space<hbm>>)
      tpu.yield
    }) : () -> ()
    %dma_start3A_150 = arith.constant 9 : i32
    %dma_start3A_151 = arith.constant 0 : i32
    %dma_start3A_152 = tpu.memref_slice %arg5[%dma_start3A_150, %dma_start3A_151] : memref<26x128xi32, #tpu.memory_space<vmem>> -> memref<1x128xi32, #tpu.memory_space<vmem>>
    %dma_start3A_153 = tpu.memref_squeeze %dma_start3A_152 : memref<1x128xi32, #tpu.memory_space<vmem>> -> memref<128xi32, #tpu.memory_space<vmem>>
    %dma_start3A_154 = arith.constant 0 : i32
    %dma_start3A_155 = arith.constant 0 : i32
    %dma_start3A_156 = tpu.memref_slice %arg3[%dma_start3A_154, %dma_start3A_155] : memref<1000000x64xf32, #tpu.memory_space<hbm>> -> memref<1000000x64xf32, #tpu.memory_space<hbm>>
    tpu.enqueue_indirect_dma source(%dma_start3A_156 : memref<1000000x64xf32, #tpu.memory_space<hbm>>) target(%arg7 : memref<128x64xf32, #tpu.memory_space<vmem>>) offsets(%dma_start3A_153 : memref<128xi32, #tpu.memory_space<vmem>>) semaphore(%arg9 : memref<!tpu.dma_semaphore, #tpu.memory_space<semaphore_mem>>)
    %dma_wait3A_157 = arith.constant 8 : i32
    %dma_wait3A_158 = arith.constant 0 : i32
    %dma_wait3A_159 = tpu.memref_slice %arg5[%dma_wait3A_157, %dma_wait3A_158] : memref<26x128xi32, #tpu.memory_space<vmem>> -> memref<1x128xi32, #tpu.memory_space<vmem>>
    %dma_wait3A_160 = tpu.memref_squeeze %dma_wait3A_159 : memref<1x128xi32, #tpu.memory_space<vmem>> -> memref<128xi32, #tpu.memory_space<vmem>>
    %dma_wait3A_161 = arith.constant 0 : i32
    %dma_wait3A_162 = arith.constant 0 : i32
    %dma_wait3A_163 = tpu.memref_slice %arg3[%dma_wait3A_161, %dma_wait3A_162] : memref<1000000x64xf32, #tpu.memory_space<hbm>> -> memref<1000000x64xf32, #tpu.memory_space<hbm>>
    tpu.wait_indirect_dma semaphore(%arg8 : memref<!tpu.dma_semaphore, #tpu.memory_space<semaphore_mem>>) src(%dma_wait3A_163 : memref<1000000x64xf32, #tpu.memory_space<hbm>>) dst(%arg6 : memref<128x64xf32, #tpu.memory_space<vmem>>)
    %mul3A_164 = arith.constant 3328 : i32
    %mul3A_165 = arith.muli %add3A, %mul3A_164 : i32
    %add3A_166 = arith.constant 1024 : i32
    %add3A_167 = arith.addi %mul3A_165, %add3A_166 : i32
    "tpu.region"() ({
      %run_scoped3A = tpu.sem_alloc : memref<!tpu.dma_semaphore, #tpu.memory_space<semaphore_mem>>
      %dma_start3A_467 = arith.constant 0 : i32
      %dma_start3A_468 = tpu.memref_slice %arg4[%add3A_167, %dma_start3A_467] : memref<106496x64xf32, #tpu.memory_space<hbm>> -> memref<128x64xf32, #tpu.memory_space<hbm>>
      %dma_start3A_469 = arith.constant 0 : i32
      %dma_start3A_470 = tpu.memref_slice %arg4[%add3A_167, %dma_start3A_469] : memref<106496x64xf32, #tpu.memory_space<hbm>> -> memref<128x64xf32, #tpu.memory_space<hbm>>
      tpu.enqueue_dma source(%arg6 : memref<128x64xf32, #tpu.memory_space<vmem>>) target(%dma_start3A_470 : memref<128x64xf32, #tpu.memory_space<hbm>>) target_semaphore(%run_scoped3A : memref<!tpu.dma_semaphore, #tpu.memory_space<semaphore_mem>>)
      %dma_wait3A_471 = arith.constant 0 : i32
      %dma_wait3A_472 = tpu.memref_slice %arg4[%add3A_167, %dma_wait3A_471] : memref<106496x64xf32, #tpu.memory_space<hbm>> -> memref<128x64xf32, #tpu.memory_space<hbm>>
      %dma_wait3A_473 = arith.constant 0 : i32
      %dma_wait3A_474 = tpu.memref_slice %arg4[%add3A_167, %dma_wait3A_473] : memref<106496x64xf32, #tpu.memory_space<hbm>> -> memref<128x64xf32, #tpu.memory_space<hbm>>
      tpu.wait_dma2 semaphore(%run_scoped3A : memref<!tpu.dma_semaphore, #tpu.memory_space<semaphore_mem>>) src(%arg6 : memref<128x64xf32, #tpu.memory_space<vmem>>) dst(%dma_wait3A_474 : memref<128x64xf32, #tpu.memory_space<hbm>>)
      tpu.yield
    }) : () -> ()
    %dma_start3A_168 = arith.constant 10 : i32
    %dma_start3A_169 = arith.constant 0 : i32
    %dma_start3A_170 = tpu.memref_slice %arg5[%dma_start3A_168, %dma_start3A_169] : memref<26x128xi32, #tpu.memory_space<vmem>> -> memref<1x128xi32, #tpu.memory_space<vmem>>
    %dma_start3A_171 = tpu.memref_squeeze %dma_start3A_170 : memref<1x128xi32, #tpu.memory_space<vmem>> -> memref<128xi32, #tpu.memory_space<vmem>>
    %dma_start3A_172 = arith.constant 0 : i32
    %dma_start3A_173 = arith.constant 0 : i32
    %dma_start3A_174 = tpu.memref_slice %arg3[%dma_start3A_172, %dma_start3A_173] : memref<1000000x64xf32, #tpu.memory_space<hbm>> -> memref<1000000x64xf32, #tpu.memory_space<hbm>>
    tpu.enqueue_indirect_dma source(%dma_start3A_174 : memref<1000000x64xf32, #tpu.memory_space<hbm>>) target(%arg6 : memref<128x64xf32, #tpu.memory_space<vmem>>) offsets(%dma_start3A_171 : memref<128xi32, #tpu.memory_space<vmem>>) semaphore(%arg8 : memref<!tpu.dma_semaphore, #tpu.memory_space<semaphore_mem>>)
    %dma_wait3A_175 = arith.constant 9 : i32
    %dma_wait3A_176 = arith.constant 0 : i32
    %dma_wait3A_177 = tpu.memref_slice %arg5[%dma_wait3A_175, %dma_wait3A_176] : memref<26x128xi32, #tpu.memory_space<vmem>> -> memref<1x128xi32, #tpu.memory_space<vmem>>
    %dma_wait3A_178 = tpu.memref_squeeze %dma_wait3A_177 : memref<1x128xi32, #tpu.memory_space<vmem>> -> memref<128xi32, #tpu.memory_space<vmem>>
    %dma_wait3A_179 = arith.constant 0 : i32
    %dma_wait3A_180 = arith.constant 0 : i32
    %dma_wait3A_181 = tpu.memref_slice %arg3[%dma_wait3A_179, %dma_wait3A_180] : memref<1000000x64xf32, #tpu.memory_space<hbm>> -> memref<1000000x64xf32, #tpu.memory_space<hbm>>
    tpu.wait_indirect_dma semaphore(%arg9 : memref<!tpu.dma_semaphore, #tpu.memory_space<semaphore_mem>>) src(%dma_wait3A_181 : memref<1000000x64xf32, #tpu.memory_space<hbm>>) dst(%arg7 : memref<128x64xf32, #tpu.memory_space<vmem>>)
    %mul3A_182 = arith.constant 3328 : i32
    %mul3A_183 = arith.muli %add3A, %mul3A_182 : i32
    %add3A_184 = arith.constant 1152 : i32
    %add3A_185 = arith.addi %mul3A_183, %add3A_184 : i32
    "tpu.region"() ({
      %run_scoped3A = tpu.sem_alloc : memref<!tpu.dma_semaphore, #tpu.memory_space<semaphore_mem>>
      %dma_start3A_467 = arith.constant 0 : i32
      %dma_start3A_468 = tpu.memref_slice %arg4[%add3A_185, %dma_start3A_467] : memref<106496x64xf32, #tpu.memory_space<hbm>> -> memref<128x64xf32, #tpu.memory_space<hbm>>
      %dma_start3A_469 = arith.constant 0 : i32
      %dma_start3A_470 = tpu.memref_slice %arg4[%add3A_185, %dma_start3A_469] : memref<106496x64xf32, #tpu.memory_space<hbm>> -> memref<128x64xf32, #tpu.memory_space<hbm>>
      tpu.enqueue_dma source(%arg7 : memref<128x64xf32, #tpu.memory_space<vmem>>) target(%dma_start3A_470 : memref<128x64xf32, #tpu.memory_space<hbm>>) target_semaphore(%run_scoped3A : memref<!tpu.dma_semaphore, #tpu.memory_space<semaphore_mem>>)
      %dma_wait3A_471 = arith.constant 0 : i32
      %dma_wait3A_472 = tpu.memref_slice %arg4[%add3A_185, %dma_wait3A_471] : memref<106496x64xf32, #tpu.memory_space<hbm>> -> memref<128x64xf32, #tpu.memory_space<hbm>>
      %dma_wait3A_473 = arith.constant 0 : i32
      %dma_wait3A_474 = tpu.memref_slice %arg4[%add3A_185, %dma_wait3A_473] : memref<106496x64xf32, #tpu.memory_space<hbm>> -> memref<128x64xf32, #tpu.memory_space<hbm>>
      tpu.wait_dma2 semaphore(%run_scoped3A : memref<!tpu.dma_semaphore, #tpu.memory_space<semaphore_mem>>) src(%arg7 : memref<128x64xf32, #tpu.memory_space<vmem>>) dst(%dma_wait3A_474 : memref<128x64xf32, #tpu.memory_space<hbm>>)
      tpu.yield
    }) : () -> ()
    %dma_start3A_186 = arith.constant 11 : i32
    %dma_start3A_187 = arith.constant 0 : i32
    %dma_start3A_188 = tpu.memref_slice %arg5[%dma_start3A_186, %dma_start3A_187] : memref<26x128xi32, #tpu.memory_space<vmem>> -> memref<1x128xi32, #tpu.memory_space<vmem>>
    %dma_start3A_189 = tpu.memref_squeeze %dma_start3A_188 : memref<1x128xi32, #tpu.memory_space<vmem>> -> memref<128xi32, #tpu.memory_space<vmem>>
    %dma_start3A_190 = arith.constant 0 : i32
    %dma_start3A_191 = arith.constant 0 : i32
    %dma_start3A_192 = tpu.memref_slice %arg3[%dma_start3A_190, %dma_start3A_191] : memref<1000000x64xf32, #tpu.memory_space<hbm>> -> memref<1000000x64xf32, #tpu.memory_space<hbm>>
    tpu.enqueue_indirect_dma source(%dma_start3A_192 : memref<1000000x64xf32, #tpu.memory_space<hbm>>) target(%arg7 : memref<128x64xf32, #tpu.memory_space<vmem>>) offsets(%dma_start3A_189 : memref<128xi32, #tpu.memory_space<vmem>>) semaphore(%arg9 : memref<!tpu.dma_semaphore, #tpu.memory_space<semaphore_mem>>)
    %dma_wait3A_193 = arith.constant 10 : i32
    %dma_wait3A_194 = arith.constant 0 : i32
    %dma_wait3A_195 = tpu.memref_slice %arg5[%dma_wait3A_193, %dma_wait3A_194] : memref<26x128xi32, #tpu.memory_space<vmem>> -> memref<1x128xi32, #tpu.memory_space<vmem>>
    %dma_wait3A_196 = tpu.memref_squeeze %dma_wait3A_195 : memref<1x128xi32, #tpu.memory_space<vmem>> -> memref<128xi32, #tpu.memory_space<vmem>>
    %dma_wait3A_197 = arith.constant 0 : i32
    %dma_wait3A_198 = arith.constant 0 : i32
    %dma_wait3A_199 = tpu.memref_slice %arg3[%dma_wait3A_197, %dma_wait3A_198] : memref<1000000x64xf32, #tpu.memory_space<hbm>> -> memref<1000000x64xf32, #tpu.memory_space<hbm>>
    tpu.wait_indirect_dma semaphore(%arg8 : memref<!tpu.dma_semaphore, #tpu.memory_space<semaphore_mem>>) src(%dma_wait3A_199 : memref<1000000x64xf32, #tpu.memory_space<hbm>>) dst(%arg6 : memref<128x64xf32, #tpu.memory_space<vmem>>)
    %mul3A_200 = arith.constant 3328 : i32
    %mul3A_201 = arith.muli %add3A, %mul3A_200 : i32
    %add3A_202 = arith.constant 1280 : i32
    %add3A_203 = arith.addi %mul3A_201, %add3A_202 : i32
    "tpu.region"() ({
      %run_scoped3A = tpu.sem_alloc : memref<!tpu.dma_semaphore, #tpu.memory_space<semaphore_mem>>
      %dma_start3A_467 = arith.constant 0 : i32
      %dma_start3A_468 = tpu.memref_slice %arg4[%add3A_203, %dma_start3A_467] : memref<106496x64xf32, #tpu.memory_space<hbm>> -> memref<128x64xf32, #tpu.memory_space<hbm>>
      %dma_start3A_469 = arith.constant 0 : i32
      %dma_start3A_470 = tpu.memref_slice %arg4[%add3A_203, %dma_start3A_469] : memref<106496x64xf32, #tpu.memory_space<hbm>> -> memref<128x64xf32, #tpu.memory_space<hbm>>
      tpu.enqueue_dma source(%arg6 : memref<128x64xf32, #tpu.memory_space<vmem>>) target(%dma_start3A_470 : memref<128x64xf32, #tpu.memory_space<hbm>>) target_semaphore(%run_scoped3A : memref<!tpu.dma_semaphore, #tpu.memory_space<semaphore_mem>>)
      %dma_wait3A_471 = arith.constant 0 : i32
      %dma_wait3A_472 = tpu.memref_slice %arg4[%add3A_203, %dma_wait3A_471] : memref<106496x64xf32, #tpu.memory_space<hbm>> -> memref<128x64xf32, #tpu.memory_space<hbm>>
      %dma_wait3A_473 = arith.constant 0 : i32
      %dma_wait3A_474 = tpu.memref_slice %arg4[%add3A_203, %dma_wait3A_473] : memref<106496x64xf32, #tpu.memory_space<hbm>> -> memref<128x64xf32, #tpu.memory_space<hbm>>
      tpu.wait_dma2 semaphore(%run_scoped3A : memref<!tpu.dma_semaphore, #tpu.memory_space<semaphore_mem>>) src(%arg6 : memref<128x64xf32, #tpu.memory_space<vmem>>) dst(%dma_wait3A_474 : memref<128x64xf32, #tpu.memory_space<hbm>>)
      tpu.yield
    }) : () -> ()
    %dma_start3A_204 = arith.constant 12 : i32
    %dma_start3A_205 = arith.constant 0 : i32
    %dma_start3A_206 = tpu.memref_slice %arg5[%dma_start3A_204, %dma_start3A_205] : memref<26x128xi32, #tpu.memory_space<vmem>> -> memref<1x128xi32, #tpu.memory_space<vmem>>
    %dma_start3A_207 = tpu.memref_squeeze %dma_start3A_206 : memref<1x128xi32, #tpu.memory_space<vmem>> -> memref<128xi32, #tpu.memory_space<vmem>>
    %dma_start3A_208 = arith.constant 0 : i32
    %dma_start3A_209 = arith.constant 0 : i32
    %dma_start3A_210 = tpu.memref_slice %arg3[%dma_start3A_208, %dma_start3A_209] : memref<1000000x64xf32, #tpu.memory_space<hbm>> -> memref<1000000x64xf32, #tpu.memory_space<hbm>>
    tpu.enqueue_indirect_dma source(%dma_start3A_210 : memref<1000000x64xf32, #tpu.memory_space<hbm>>) target(%arg6 : memref<128x64xf32, #tpu.memory_space<vmem>>) offsets(%dma_start3A_207 : memref<128xi32, #tpu.memory_space<vmem>>) semaphore(%arg8 : memref<!tpu.dma_semaphore, #tpu.memory_space<semaphore_mem>>)
    %dma_wait3A_211 = arith.constant 11 : i32
    %dma_wait3A_212 = arith.constant 0 : i32
    %dma_wait3A_213 = tpu.memref_slice %arg5[%dma_wait3A_211, %dma_wait3A_212] : memref<26x128xi32, #tpu.memory_space<vmem>> -> memref<1x128xi32, #tpu.memory_space<vmem>>
    %dma_wait3A_214 = tpu.memref_squeeze %dma_wait3A_213 : memref<1x128xi32, #tpu.memory_space<vmem>> -> memref<128xi32, #tpu.memory_space<vmem>>
    %dma_wait3A_215 = arith.constant 0 : i32
    %dma_wait3A_216 = arith.constant 0 : i32
    %dma_wait3A_217 = tpu.memref_slice %arg3[%dma_wait3A_215, %dma_wait3A_216] : memref<1000000x64xf32, #tpu.memory_space<hbm>> -> memref<1000000x64xf32, #tpu.memory_space<hbm>>
    tpu.wait_indirect_dma semaphore(%arg9 : memref<!tpu.dma_semaphore, #tpu.memory_space<semaphore_mem>>) src(%dma_wait3A_217 : memref<1000000x64xf32, #tpu.memory_space<hbm>>) dst(%arg7 : memref<128x64xf32, #tpu.memory_space<vmem>>)
    %mul3A_218 = arith.constant 3328 : i32
    %mul3A_219 = arith.muli %add3A, %mul3A_218 : i32
    %add3A_220 = arith.constant 1408 : i32
    %add3A_221 = arith.addi %mul3A_219, %add3A_220 : i32
    "tpu.region"() ({
      %run_scoped3A = tpu.sem_alloc : memref<!tpu.dma_semaphore, #tpu.memory_space<semaphore_mem>>
      %dma_start3A_467 = arith.constant 0 : i32
      %dma_start3A_468 = tpu.memref_slice %arg4[%add3A_221, %dma_start3A_467] : memref<106496x64xf32, #tpu.memory_space<hbm>> -> memref<128x64xf32, #tpu.memory_space<hbm>>
      %dma_start3A_469 = arith.constant 0 : i32
      %dma_start3A_470 = tpu.memref_slice %arg4[%add3A_221, %dma_start3A_469] : memref<106496x64xf32, #tpu.memory_space<hbm>> -> memref<128x64xf32, #tpu.memory_space<hbm>>
      tpu.enqueue_dma source(%arg7 : memref<128x64xf32, #tpu.memory_space<vmem>>) target(%dma_start3A_470 : memref<128x64xf32, #tpu.memory_space<hbm>>) target_semaphore(%run_scoped3A : memref<!tpu.dma_semaphore, #tpu.memory_space<semaphore_mem>>)
      %dma_wait3A_471 = arith.constant 0 : i32
      %dma_wait3A_472 = tpu.memref_slice %arg4[%add3A_221, %dma_wait3A_471] : memref<106496x64xf32, #tpu.memory_space<hbm>> -> memref<128x64xf32, #tpu.memory_space<hbm>>
      %dma_wait3A_473 = arith.constant 0 : i32
      %dma_wait3A_474 = tpu.memref_slice %arg4[%add3A_221, %dma_wait3A_473] : memref<106496x64xf32, #tpu.memory_space<hbm>> -> memref<128x64xf32, #tpu.memory_space<hbm>>
      tpu.wait_dma2 semaphore(%run_scoped3A : memref<!tpu.dma_semaphore, #tpu.memory_space<semaphore_mem>>) src(%arg7 : memref<128x64xf32, #tpu.memory_space<vmem>>) dst(%dma_wait3A_474 : memref<128x64xf32, #tpu.memory_space<hbm>>)
      tpu.yield
    }) : () -> ()
    %dma_start3A_222 = arith.constant 13 : i32
    %dma_start3A_223 = arith.constant 0 : i32
    %dma_start3A_224 = tpu.memref_slice %arg5[%dma_start3A_222, %dma_start3A_223] : memref<26x128xi32, #tpu.memory_space<vmem>> -> memref<1x128xi32, #tpu.memory_space<vmem>>
    %dma_start3A_225 = tpu.memref_squeeze %dma_start3A_224 : memref<1x128xi32, #tpu.memory_space<vmem>> -> memref<128xi32, #tpu.memory_space<vmem>>
    %dma_start3A_226 = arith.constant 0 : i32
    %dma_start3A_227 = arith.constant 0 : i32
    %dma_start3A_228 = tpu.memref_slice %arg3[%dma_start3A_226, %dma_start3A_227] : memref<1000000x64xf32, #tpu.memory_space<hbm>> -> memref<1000000x64xf32, #tpu.memory_space<hbm>>
    tpu.enqueue_indirect_dma source(%dma_start3A_228 : memref<1000000x64xf32, #tpu.memory_space<hbm>>) target(%arg7 : memref<128x64xf32, #tpu.memory_space<vmem>>) offsets(%dma_start3A_225 : memref<128xi32, #tpu.memory_space<vmem>>) semaphore(%arg9 : memref<!tpu.dma_semaphore, #tpu.memory_space<semaphore_mem>>)
    %dma_wait3A_229 = arith.constant 12 : i32
    %dma_wait3A_230 = arith.constant 0 : i32
    %dma_wait3A_231 = tpu.memref_slice %arg5[%dma_wait3A_229, %dma_wait3A_230] : memref<26x128xi32, #tpu.memory_space<vmem>> -> memref<1x128xi32, #tpu.memory_space<vmem>>
    %dma_wait3A_232 = tpu.memref_squeeze %dma_wait3A_231 : memref<1x128xi32, #tpu.memory_space<vmem>> -> memref<128xi32, #tpu.memory_space<vmem>>
    %dma_wait3A_233 = arith.constant 0 : i32
    %dma_wait3A_234 = arith.constant 0 : i32
    %dma_wait3A_235 = tpu.memref_slice %arg3[%dma_wait3A_233, %dma_wait3A_234] : memref<1000000x64xf32, #tpu.memory_space<hbm>> -> memref<1000000x64xf32, #tpu.memory_space<hbm>>
    tpu.wait_indirect_dma semaphore(%arg8 : memref<!tpu.dma_semaphore, #tpu.memory_space<semaphore_mem>>) src(%dma_wait3A_235 : memref<1000000x64xf32, #tpu.memory_space<hbm>>) dst(%arg6 : memref<128x64xf32, #tpu.memory_space<vmem>>)
    %mul3A_236 = arith.constant 3328 : i32
    %mul3A_237 = arith.muli %add3A, %mul3A_236 : i32
    %add3A_238 = arith.constant 1536 : i32
    %add3A_239 = arith.addi %mul3A_237, %add3A_238 : i32
    "tpu.region"() ({
      %run_scoped3A = tpu.sem_alloc : memref<!tpu.dma_semaphore, #tpu.memory_space<semaphore_mem>>
      %dma_start3A_467 = arith.constant 0 : i32
      %dma_start3A_468 = tpu.memref_slice %arg4[%add3A_239, %dma_start3A_467] : memref<106496x64xf32, #tpu.memory_space<hbm>> -> memref<128x64xf32, #tpu.memory_space<hbm>>
      %dma_start3A_469 = arith.constant 0 : i32
      %dma_start3A_470 = tpu.memref_slice %arg4[%add3A_239, %dma_start3A_469] : memref<106496x64xf32, #tpu.memory_space<hbm>> -> memref<128x64xf32, #tpu.memory_space<hbm>>
      tpu.enqueue_dma source(%arg6 : memref<128x64xf32, #tpu.memory_space<vmem>>) target(%dma_start3A_470 : memref<128x64xf32, #tpu.memory_space<hbm>>) target_semaphore(%run_scoped3A : memref<!tpu.dma_semaphore, #tpu.memory_space<semaphore_mem>>)
      %dma_wait3A_471 = arith.constant 0 : i32
      %dma_wait3A_472 = tpu.memref_slice %arg4[%add3A_239, %dma_wait3A_471] : memref<106496x64xf32, #tpu.memory_space<hbm>> -> memref<128x64xf32, #tpu.memory_space<hbm>>
      %dma_wait3A_473 = arith.constant 0 : i32
      %dma_wait3A_474 = tpu.memref_slice %arg4[%add3A_239, %dma_wait3A_473] : memref<106496x64xf32, #tpu.memory_space<hbm>> -> memref<128x64xf32, #tpu.memory_space<hbm>>
      tpu.wait_dma2 semaphore(%run_scoped3A : memref<!tpu.dma_semaphore, #tpu.memory_space<semaphore_mem>>) src(%arg6 : memref<128x64xf32, #tpu.memory_space<vmem>>) dst(%dma_wait3A_474 : memref<128x64xf32, #tpu.memory_space<hbm>>)
      tpu.yield
    }) : () -> ()
    %dma_start3A_240 = arith.constant 14 : i32
    %dma_start3A_241 = arith.constant 0 : i32
    %dma_start3A_242 = tpu.memref_slice %arg5[%dma_start3A_240, %dma_start3A_241] : memref<26x128xi32, #tpu.memory_space<vmem>> -> memref<1x128xi32, #tpu.memory_space<vmem>>
    %dma_start3A_243 = tpu.memref_squeeze %dma_start3A_242 : memref<1x128xi32, #tpu.memory_space<vmem>> -> memref<128xi32, #tpu.memory_space<vmem>>
    %dma_start3A_244 = arith.constant 0 : i32
    %dma_start3A_245 = arith.constant 0 : i32
    %dma_start3A_246 = tpu.memref_slice %arg3[%dma_start3A_244, %dma_start3A_245] : memref<1000000x64xf32, #tpu.memory_space<hbm>> -> memref<1000000x64xf32, #tpu.memory_space<hbm>>
    tpu.enqueue_indirect_dma source(%dma_start3A_246 : memref<1000000x64xf32, #tpu.memory_space<hbm>>) target(%arg6 : memref<128x64xf32, #tpu.memory_space<vmem>>) offsets(%dma_start3A_243 : memref<128xi32, #tpu.memory_space<vmem>>) semaphore(%arg8 : memref<!tpu.dma_semaphore, #tpu.memory_space<semaphore_mem>>)
    %dma_wait3A_247 = arith.constant 13 : i32
    %dma_wait3A_248 = arith.constant 0 : i32
    %dma_wait3A_249 = tpu.memref_slice %arg5[%dma_wait3A_247, %dma_wait3A_248] : memref<26x128xi32, #tpu.memory_space<vmem>> -> memref<1x128xi32, #tpu.memory_space<vmem>>
    %dma_wait3A_250 = tpu.memref_squeeze %dma_wait3A_249 : memref<1x128xi32, #tpu.memory_space<vmem>> -> memref<128xi32, #tpu.memory_space<vmem>>
    %dma_wait3A_251 = arith.constant 0 : i32
    %dma_wait3A_252 = arith.constant 0 : i32
    %dma_wait3A_253 = tpu.memref_slice %arg3[%dma_wait3A_251, %dma_wait3A_252] : memref<1000000x64xf32, #tpu.memory_space<hbm>> -> memref<1000000x64xf32, #tpu.memory_space<hbm>>
    tpu.wait_indirect_dma semaphore(%arg9 : memref<!tpu.dma_semaphore, #tpu.memory_space<semaphore_mem>>) src(%dma_wait3A_253 : memref<1000000x64xf32, #tpu.memory_space<hbm>>) dst(%arg7 : memref<128x64xf32, #tpu.memory_space<vmem>>)
    %mul3A_254 = arith.constant 3328 : i32
    %mul3A_255 = arith.muli %add3A, %mul3A_254 : i32
    %add3A_256 = arith.constant 1664 : i32
    %add3A_257 = arith.addi %mul3A_255, %add3A_256 : i32
    "tpu.region"() ({
      %run_scoped3A = tpu.sem_alloc : memref<!tpu.dma_semaphore, #tpu.memory_space<semaphore_mem>>
      %dma_start3A_467 = arith.constant 0 : i32
      %dma_start3A_468 = tpu.memref_slice %arg4[%add3A_257, %dma_start3A_467] : memref<106496x64xf32, #tpu.memory_space<hbm>> -> memref<128x64xf32, #tpu.memory_space<hbm>>
      %dma_start3A_469 = arith.constant 0 : i32
      %dma_start3A_470 = tpu.memref_slice %arg4[%add3A_257, %dma_start3A_469] : memref<106496x64xf32, #tpu.memory_space<hbm>> -> memref<128x64xf32, #tpu.memory_space<hbm>>
      tpu.enqueue_dma source(%arg7 : memref<128x64xf32, #tpu.memory_space<vmem>>) target(%dma_start3A_470 : memref<128x64xf32, #tpu.memory_space<hbm>>) target_semaphore(%run_scoped3A : memref<!tpu.dma_semaphore, #tpu.memory_space<semaphore_mem>>)
      %dma_wait3A_471 = arith.constant 0 : i32
      %dma_wait3A_472 = tpu.memref_slice %arg4[%add3A_257, %dma_wait3A_471] : memref<106496x64xf32, #tpu.memory_space<hbm>> -> memref<128x64xf32, #tpu.memory_space<hbm>>
      %dma_wait3A_473 = arith.constant 0 : i32
      %dma_wait3A_474 = tpu.memref_slice %arg4[%add3A_257, %dma_wait3A_473] : memref<106496x64xf32, #tpu.memory_space<hbm>> -> memref<128x64xf32, #tpu.memory_space<hbm>>
      tpu.wait_dma2 semaphore(%run_scoped3A : memref<!tpu.dma_semaphore, #tpu.memory_space<semaphore_mem>>) src(%arg7 : memref<128x64xf32, #tpu.memory_space<vmem>>) dst(%dma_wait3A_474 : memref<128x64xf32, #tpu.memory_space<hbm>>)
      tpu.yield
    }) : () -> ()
    %dma_start3A_258 = arith.constant 15 : i32
    %dma_start3A_259 = arith.constant 0 : i32
    %dma_start3A_260 = tpu.memref_slice %arg5[%dma_start3A_258, %dma_start3A_259] : memref<26x128xi32, #tpu.memory_space<vmem>> -> memref<1x128xi32, #tpu.memory_space<vmem>>
    %dma_start3A_261 = tpu.memref_squeeze %dma_start3A_260 : memref<1x128xi32, #tpu.memory_space<vmem>> -> memref<128xi32, #tpu.memory_space<vmem>>
    %dma_start3A_262 = arith.constant 0 : i32
    %dma_start3A_263 = arith.constant 0 : i32
    %dma_start3A_264 = tpu.memref_slice %arg3[%dma_start3A_262, %dma_start3A_263] : memref<1000000x64xf32, #tpu.memory_space<hbm>> -> memref<1000000x64xf32, #tpu.memory_space<hbm>>
    tpu.enqueue_indirect_dma source(%dma_start3A_264 : memref<1000000x64xf32, #tpu.memory_space<hbm>>) target(%arg7 : memref<128x64xf32, #tpu.memory_space<vmem>>) offsets(%dma_start3A_261 : memref<128xi32, #tpu.memory_space<vmem>>) semaphore(%arg9 : memref<!tpu.dma_semaphore, #tpu.memory_space<semaphore_mem>>)
    %dma_wait3A_265 = arith.constant 14 : i32
    %dma_wait3A_266 = arith.constant 0 : i32
    %dma_wait3A_267 = tpu.memref_slice %arg5[%dma_wait3A_265, %dma_wait3A_266] : memref<26x128xi32, #tpu.memory_space<vmem>> -> memref<1x128xi32, #tpu.memory_space<vmem>>
    %dma_wait3A_268 = tpu.memref_squeeze %dma_wait3A_267 : memref<1x128xi32, #tpu.memory_space<vmem>> -> memref<128xi32, #tpu.memory_space<vmem>>
    %dma_wait3A_269 = arith.constant 0 : i32
    %dma_wait3A_270 = arith.constant 0 : i32
    %dma_wait3A_271 = tpu.memref_slice %arg3[%dma_wait3A_269, %dma_wait3A_270] : memref<1000000x64xf32, #tpu.memory_space<hbm>> -> memref<1000000x64xf32, #tpu.memory_space<hbm>>
    tpu.wait_indirect_dma semaphore(%arg8 : memref<!tpu.dma_semaphore, #tpu.memory_space<semaphore_mem>>) src(%dma_wait3A_271 : memref<1000000x64xf32, #tpu.memory_space<hbm>>) dst(%arg6 : memref<128x64xf32, #tpu.memory_space<vmem>>)
    %mul3A_272 = arith.constant 3328 : i32
    %mul3A_273 = arith.muli %add3A, %mul3A_272 : i32
    %add3A_274 = arith.constant 1792 : i32
    %add3A_275 = arith.addi %mul3A_273, %add3A_274 : i32
    "tpu.region"() ({
      %run_scoped3A = tpu.sem_alloc : memref<!tpu.dma_semaphore, #tpu.memory_space<semaphore_mem>>
      %dma_start3A_467 = arith.constant 0 : i32
      %dma_start3A_468 = tpu.memref_slice %arg4[%add3A_275, %dma_start3A_467] : memref<106496x64xf32, #tpu.memory_space<hbm>> -> memref<128x64xf32, #tpu.memory_space<hbm>>
      %dma_start3A_469 = arith.constant 0 : i32
      %dma_start3A_470 = tpu.memref_slice %arg4[%add3A_275, %dma_start3A_469] : memref<106496x64xf32, #tpu.memory_space<hbm>> -> memref<128x64xf32, #tpu.memory_space<hbm>>
      tpu.enqueue_dma source(%arg6 : memref<128x64xf32, #tpu.memory_space<vmem>>) target(%dma_start3A_470 : memref<128x64xf32, #tpu.memory_space<hbm>>) target_semaphore(%run_scoped3A : memref<!tpu.dma_semaphore, #tpu.memory_space<semaphore_mem>>)
      %dma_wait3A_471 = arith.constant 0 : i32
      %dma_wait3A_472 = tpu.memref_slice %arg4[%add3A_275, %dma_wait3A_471] : memref<106496x64xf32, #tpu.memory_space<hbm>> -> memref<128x64xf32, #tpu.memory_space<hbm>>
      %dma_wait3A_473 = arith.constant 0 : i32
      %dma_wait3A_474 = tpu.memref_slice %arg4[%add3A_275, %dma_wait3A_473] : memref<106496x64xf32, #tpu.memory_space<hbm>> -> memref<128x64xf32, #tpu.memory_space<hbm>>
      tpu.wait_dma2 semaphore(%run_scoped3A : memref<!tpu.dma_semaphore, #tpu.memory_space<semaphore_mem>>) src(%arg6 : memref<128x64xf32, #tpu.memory_space<vmem>>) dst(%dma_wait3A_474 : memref<128x64xf32, #tpu.memory_space<hbm>>)
      tpu.yield
    }) : () -> ()
    %dma_start3A_276 = arith.constant 16 : i32
    %dma_start3A_277 = arith.constant 0 : i32
    %dma_start3A_278 = tpu.memref_slice %arg5[%dma_start3A_276, %dma_start3A_277] : memref<26x128xi32, #tpu.memory_space<vmem>> -> memref<1x128xi32, #tpu.memory_space<vmem>>
    %dma_start3A_279 = tpu.memref_squeeze %dma_start3A_278 : memref<1x128xi32, #tpu.memory_space<vmem>> -> memref<128xi32, #tpu.memory_space<vmem>>
    %dma_start3A_280 = arith.constant 0 : i32
    %dma_start3A_281 = arith.constant 0 : i32
    %dma_start3A_282 = tpu.memref_slice %arg3[%dma_start3A_280, %dma_start3A_281] : memref<1000000x64xf32, #tpu.memory_space<hbm>> -> memref<1000000x64xf32, #tpu.memory_space<hbm>>
    tpu.enqueue_indirect_dma source(%dma_start3A_282 : memref<1000000x64xf32, #tpu.memory_space<hbm>>) target(%arg6 : memref<128x64xf32, #tpu.memory_space<vmem>>) offsets(%dma_start3A_279 : memref<128xi32, #tpu.memory_space<vmem>>) semaphore(%arg8 : memref<!tpu.dma_semaphore, #tpu.memory_space<semaphore_mem>>)
    %dma_wait3A_283 = arith.constant 15 : i32
    %dma_wait3A_284 = arith.constant 0 : i32
    %dma_wait3A_285 = tpu.memref_slice %arg5[%dma_wait3A_283, %dma_wait3A_284] : memref<26x128xi32, #tpu.memory_space<vmem>> -> memref<1x128xi32, #tpu.memory_space<vmem>>
    %dma_wait3A_286 = tpu.memref_squeeze %dma_wait3A_285 : memref<1x128xi32, #tpu.memory_space<vmem>> -> memref<128xi32, #tpu.memory_space<vmem>>
    %dma_wait3A_287 = arith.constant 0 : i32
    %dma_wait3A_288 = arith.constant 0 : i32
    %dma_wait3A_289 = tpu.memref_slice %arg3[%dma_wait3A_287, %dma_wait3A_288] : memref<1000000x64xf32, #tpu.memory_space<hbm>> -> memref<1000000x64xf32, #tpu.memory_space<hbm>>
    tpu.wait_indirect_dma semaphore(%arg9 : memref<!tpu.dma_semaphore, #tpu.memory_space<semaphore_mem>>) src(%dma_wait3A_289 : memref<1000000x64xf32, #tpu.memory_space<hbm>>) dst(%arg7 : memref<128x64xf32, #tpu.memory_space<vmem>>)
    %mul3A_290 = arith.constant 3328 : i32
    %mul3A_291 = arith.muli %add3A, %mul3A_290 : i32
    %add3A_292 = arith.constant 1920 : i32
    %add3A_293 = arith.addi %mul3A_291, %add3A_292 : i32
    "tpu.region"() ({
      %run_scoped3A = tpu.sem_alloc : memref<!tpu.dma_semaphore, #tpu.memory_space<semaphore_mem>>
      %dma_start3A_467 = arith.constant 0 : i32
      %dma_start3A_468 = tpu.memref_slice %arg4[%add3A_293, %dma_start3A_467] : memref<106496x64xf32, #tpu.memory_space<hbm>> -> memref<128x64xf32, #tpu.memory_space<hbm>>
      %dma_start3A_469 = arith.constant 0 : i32
      %dma_start3A_470 = tpu.memref_slice %arg4[%add3A_293, %dma_start3A_469] : memref<106496x64xf32, #tpu.memory_space<hbm>> -> memref<128x64xf32, #tpu.memory_space<hbm>>
      tpu.enqueue_dma source(%arg7 : memref<128x64xf32, #tpu.memory_space<vmem>>) target(%dma_start3A_470 : memref<128x64xf32, #tpu.memory_space<hbm>>) target_semaphore(%run_scoped3A : memref<!tpu.dma_semaphore, #tpu.memory_space<semaphore_mem>>)
      %dma_wait3A_471 = arith.constant 0 : i32
      %dma_wait3A_472 = tpu.memref_slice %arg4[%add3A_293, %dma_wait3A_471] : memref<106496x64xf32, #tpu.memory_space<hbm>> -> memref<128x64xf32, #tpu.memory_space<hbm>>
      %dma_wait3A_473 = arith.constant 0 : i32
      %dma_wait3A_474 = tpu.memref_slice %arg4[%add3A_293, %dma_wait3A_473] : memref<106496x64xf32, #tpu.memory_space<hbm>> -> memref<128x64xf32, #tpu.memory_space<hbm>>
      tpu.wait_dma2 semaphore(%run_scoped3A : memref<!tpu.dma_semaphore, #tpu.memory_space<semaphore_mem>>) src(%arg7 : memref<128x64xf32, #tpu.memory_space<vmem>>) dst(%dma_wait3A_474 : memref<128x64xf32, #tpu.memory_space<hbm>>)
      tpu.yield
    }) : () -> ()
    %dma_start3A_294 = arith.constant 17 : i32
    %dma_start3A_295 = arith.constant 0 : i32
    %dma_start3A_296 = tpu.memref_slice %arg5[%dma_start3A_294, %dma_start3A_295] : memref<26x128xi32, #tpu.memory_space<vmem>> -> memref<1x128xi32, #tpu.memory_space<vmem>>
    %dma_start3A_297 = tpu.memref_squeeze %dma_start3A_296 : memref<1x128xi32, #tpu.memory_space<vmem>> -> memref<128xi32, #tpu.memory_space<vmem>>
    %dma_start3A_298 = arith.constant 0 : i32
    %dma_start3A_299 = arith.constant 0 : i32
    %dma_start3A_300 = tpu.memref_slice %arg3[%dma_start3A_298, %dma_start3A_299] : memref<1000000x64xf32, #tpu.memory_space<hbm>> -> memref<1000000x64xf32, #tpu.memory_space<hbm>>
    tpu.enqueue_indirect_dma source(%dma_start3A_300 : memref<1000000x64xf32, #tpu.memory_space<hbm>>) target(%arg7 : memref<128x64xf32, #tpu.memory_space<vmem>>) offsets(%dma_start3A_297 : memref<128xi32, #tpu.memory_space<vmem>>) semaphore(%arg9 : memref<!tpu.dma_semaphore, #tpu.memory_space<semaphore_mem>>)
    %dma_wait3A_301 = arith.constant 16 : i32
    %dma_wait3A_302 = arith.constant 0 : i32
    %dma_wait3A_303 = tpu.memref_slice %arg5[%dma_wait3A_301, %dma_wait3A_302] : memref<26x128xi32, #tpu.memory_space<vmem>> -> memref<1x128xi32, #tpu.memory_space<vmem>>
    %dma_wait3A_304 = tpu.memref_squeeze %dma_wait3A_303 : memref<1x128xi32, #tpu.memory_space<vmem>> -> memref<128xi32, #tpu.memory_space<vmem>>
    %dma_wait3A_305 = arith.constant 0 : i32
    %dma_wait3A_306 = arith.constant 0 : i32
    %dma_wait3A_307 = tpu.memref_slice %arg3[%dma_wait3A_305, %dma_wait3A_306] : memref<1000000x64xf32, #tpu.memory_space<hbm>> -> memref<1000000x64xf32, #tpu.memory_space<hbm>>
    tpu.wait_indirect_dma semaphore(%arg8 : memref<!tpu.dma_semaphore, #tpu.memory_space<semaphore_mem>>) src(%dma_wait3A_307 : memref<1000000x64xf32, #tpu.memory_space<hbm>>) dst(%arg6 : memref<128x64xf32, #tpu.memory_space<vmem>>)
    %mul3A_308 = arith.constant 3328 : i32
    %mul3A_309 = arith.muli %add3A, %mul3A_308 : i32
    %add3A_310 = arith.constant 2048 : i32
    %add3A_311 = arith.addi %mul3A_309, %add3A_310 : i32
    "tpu.region"() ({
      %run_scoped3A = tpu.sem_alloc : memref<!tpu.dma_semaphore, #tpu.memory_space<semaphore_mem>>
      %dma_start3A_467 = arith.constant 0 : i32
      %dma_start3A_468 = tpu.memref_slice %arg4[%add3A_311, %dma_start3A_467] : memref<106496x64xf32, #tpu.memory_space<hbm>> -> memref<128x64xf32, #tpu.memory_space<hbm>>
      %dma_start3A_469 = arith.constant 0 : i32
      %dma_start3A_470 = tpu.memref_slice %arg4[%add3A_311, %dma_start3A_469] : memref<106496x64xf32, #tpu.memory_space<hbm>> -> memref<128x64xf32, #tpu.memory_space<hbm>>
      tpu.enqueue_dma source(%arg6 : memref<128x64xf32, #tpu.memory_space<vmem>>) target(%dma_start3A_470 : memref<128x64xf32, #tpu.memory_space<hbm>>) target_semaphore(%run_scoped3A : memref<!tpu.dma_semaphore, #tpu.memory_space<semaphore_mem>>)
      %dma_wait3A_471 = arith.constant 0 : i32
      %dma_wait3A_472 = tpu.memref_slice %arg4[%add3A_311, %dma_wait3A_471] : memref<106496x64xf32, #tpu.memory_space<hbm>> -> memref<128x64xf32, #tpu.memory_space<hbm>>
      %dma_wait3A_473 = arith.constant 0 : i32
      %dma_wait3A_474 = tpu.memref_slice %arg4[%add3A_311, %dma_wait3A_473] : memref<106496x64xf32, #tpu.memory_space<hbm>> -> memref<128x64xf32, #tpu.memory_space<hbm>>
      tpu.wait_dma2 semaphore(%run_scoped3A : memref<!tpu.dma_semaphore, #tpu.memory_space<semaphore_mem>>) src(%arg6 : memref<128x64xf32, #tpu.memory_space<vmem>>) dst(%dma_wait3A_474 : memref<128x64xf32, #tpu.memory_space<hbm>>)
      tpu.yield
    }) : () -> ()
    %dma_start3A_312 = arith.constant 18 : i32
    %dma_start3A_313 = arith.constant 0 : i32
    %dma_start3A_314 = tpu.memref_slice %arg5[%dma_start3A_312, %dma_start3A_313] : memref<26x128xi32, #tpu.memory_space<vmem>> -> memref<1x128xi32, #tpu.memory_space<vmem>>
    %dma_start3A_315 = tpu.memref_squeeze %dma_start3A_314 : memref<1x128xi32, #tpu.memory_space<vmem>> -> memref<128xi32, #tpu.memory_space<vmem>>
    %dma_start3A_316 = arith.constant 0 : i32
    %dma_start3A_317 = arith.constant 0 : i32
    %dma_start3A_318 = tpu.memref_slice %arg3[%dma_start3A_316, %dma_start3A_317] : memref<1000000x64xf32, #tpu.memory_space<hbm>> -> memref<1000000x64xf32, #tpu.memory_space<hbm>>
    tpu.enqueue_indirect_dma source(%dma_start3A_318 : memref<1000000x64xf32, #tpu.memory_space<hbm>>) target(%arg6 : memref<128x64xf32, #tpu.memory_space<vmem>>) offsets(%dma_start3A_315 : memref<128xi32, #tpu.memory_space<vmem>>) semaphore(%arg8 : memref<!tpu.dma_semaphore, #tpu.memory_space<semaphore_mem>>)
    %dma_wait3A_319 = arith.constant 17 : i32
    %dma_wait3A_320 = arith.constant 0 : i32
    %dma_wait3A_321 = tpu.memref_slice %arg5[%dma_wait3A_319, %dma_wait3A_320] : memref<26x128xi32, #tpu.memory_space<vmem>> -> memref<1x128xi32, #tpu.memory_space<vmem>>
    %dma_wait3A_322 = tpu.memref_squeeze %dma_wait3A_321 : memref<1x128xi32, #tpu.memory_space<vmem>> -> memref<128xi32, #tpu.memory_space<vmem>>
    %dma_wait3A_323 = arith.constant 0 : i32
    %dma_wait3A_324 = arith.constant 0 : i32
    %dma_wait3A_325 = tpu.memref_slice %arg3[%dma_wait3A_323, %dma_wait3A_324] : memref<1000000x64xf32, #tpu.memory_space<hbm>> -> memref<1000000x64xf32, #tpu.memory_space<hbm>>
    tpu.wait_indirect_dma semaphore(%arg9 : memref<!tpu.dma_semaphore, #tpu.memory_space<semaphore_mem>>) src(%dma_wait3A_325 : memref<1000000x64xf32, #tpu.memory_space<hbm>>) dst(%arg7 : memref<128x64xf32, #tpu.memory_space<vmem>>)
    %mul3A_326 = arith.constant 3328 : i32
    %mul3A_327 = arith.muli %add3A, %mul3A_326 : i32
    %add3A_328 = arith.constant 2176 : i32
    %add3A_329 = arith.addi %mul3A_327, %add3A_328 : i32
    "tpu.region"() ({
      %run_scoped3A = tpu.sem_alloc : memref<!tpu.dma_semaphore, #tpu.memory_space<semaphore_mem>>
      %dma_start3A_467 = arith.constant 0 : i32
      %dma_start3A_468 = tpu.memref_slice %arg4[%add3A_329, %dma_start3A_467] : memref<106496x64xf32, #tpu.memory_space<hbm>> -> memref<128x64xf32, #tpu.memory_space<hbm>>
      %dma_start3A_469 = arith.constant 0 : i32
      %dma_start3A_470 = tpu.memref_slice %arg4[%add3A_329, %dma_start3A_469] : memref<106496x64xf32, #tpu.memory_space<hbm>> -> memref<128x64xf32, #tpu.memory_space<hbm>>
      tpu.enqueue_dma source(%arg7 : memref<128x64xf32, #tpu.memory_space<vmem>>) target(%dma_start3A_470 : memref<128x64xf32, #tpu.memory_space<hbm>>) target_semaphore(%run_scoped3A : memref<!tpu.dma_semaphore, #tpu.memory_space<semaphore_mem>>)
      %dma_wait3A_471 = arith.constant 0 : i32
      %dma_wait3A_472 = tpu.memref_slice %arg4[%add3A_329, %dma_wait3A_471] : memref<106496x64xf32, #tpu.memory_space<hbm>> -> memref<128x64xf32, #tpu.memory_space<hbm>>
      %dma_wait3A_473 = arith.constant 0 : i32
      %dma_wait3A_474 = tpu.memref_slice %arg4[%add3A_329, %dma_wait3A_473] : memref<106496x64xf32, #tpu.memory_space<hbm>> -> memref<128x64xf32, #tpu.memory_space<hbm>>
      tpu.wait_dma2 semaphore(%run_scoped3A : memref<!tpu.dma_semaphore, #tpu.memory_space<semaphore_mem>>) src(%arg7 : memref<128x64xf32, #tpu.memory_space<vmem>>) dst(%dma_wait3A_474 : memref<128x64xf32, #tpu.memory_space<hbm>>)
      tpu.yield
    }) : () -> ()
    %dma_start3A_330 = arith.constant 19 : i32
    %dma_start3A_331 = arith.constant 0 : i32
    %dma_start3A_332 = tpu.memref_slice %arg5[%dma_start3A_330, %dma_start3A_331] : memref<26x128xi32, #tpu.memory_space<vmem>> -> memref<1x128xi32, #tpu.memory_space<vmem>>
    %dma_start3A_333 = tpu.memref_squeeze %dma_start3A_332 : memref<1x128xi32, #tpu.memory_space<vmem>> -> memref<128xi32, #tpu.memory_space<vmem>>
    %dma_start3A_334 = arith.constant 0 : i32
    %dma_start3A_335 = arith.constant 0 : i32
    %dma_start3A_336 = tpu.memref_slice %arg3[%dma_start3A_334, %dma_start3A_335] : memref<1000000x64xf32, #tpu.memory_space<hbm>> -> memref<1000000x64xf32, #tpu.memory_space<hbm>>
    tpu.enqueue_indirect_dma source(%dma_start3A_336 : memref<1000000x64xf32, #tpu.memory_space<hbm>>) target(%arg7 : memref<128x64xf32, #tpu.memory_space<vmem>>) offsets(%dma_start3A_333 : memref<128xi32, #tpu.memory_space<vmem>>) semaphore(%arg9 : memref<!tpu.dma_semaphore, #tpu.memory_space<semaphore_mem>>)
    %dma_wait3A_337 = arith.constant 18 : i32
    %dma_wait3A_338 = arith.constant 0 : i32
    %dma_wait3A_339 = tpu.memref_slice %arg5[%dma_wait3A_337, %dma_wait3A_338] : memref<26x128xi32, #tpu.memory_space<vmem>> -> memref<1x128xi32, #tpu.memory_space<vmem>>
    %dma_wait3A_340 = tpu.memref_squeeze %dma_wait3A_339 : memref<1x128xi32, #tpu.memory_space<vmem>> -> memref<128xi32, #tpu.memory_space<vmem>>
    %dma_wait3A_341 = arith.constant 0 : i32
    %dma_wait3A_342 = arith.constant 0 : i32
    %dma_wait3A_343 = tpu.memref_slice %arg3[%dma_wait3A_341, %dma_wait3A_342] : memref<1000000x64xf32, #tpu.memory_space<hbm>> -> memref<1000000x64xf32, #tpu.memory_space<hbm>>
    tpu.wait_indirect_dma semaphore(%arg8 : memref<!tpu.dma_semaphore, #tpu.memory_space<semaphore_mem>>) src(%dma_wait3A_343 : memref<1000000x64xf32, #tpu.memory_space<hbm>>) dst(%arg6 : memref<128x64xf32, #tpu.memory_space<vmem>>)
    %mul3A_344 = arith.constant 3328 : i32
    %mul3A_345 = arith.muli %add3A, %mul3A_344 : i32
    %add3A_346 = arith.constant 2304 : i32
    %add3A_347 = arith.addi %mul3A_345, %add3A_346 : i32
    "tpu.region"() ({
      %run_scoped3A = tpu.sem_alloc : memref<!tpu.dma_semaphore, #tpu.memory_space<semaphore_mem>>
      %dma_start3A_467 = arith.constant 0 : i32
      %dma_start3A_468 = tpu.memref_slice %arg4[%add3A_347, %dma_start3A_467] : memref<106496x64xf32, #tpu.memory_space<hbm>> -> memref<128x64xf32, #tpu.memory_space<hbm>>
      %dma_start3A_469 = arith.constant 0 : i32
      %dma_start3A_470 = tpu.memref_slice %arg4[%add3A_347, %dma_start3A_469] : memref<106496x64xf32, #tpu.memory_space<hbm>> -> memref<128x64xf32, #tpu.memory_space<hbm>>
      tpu.enqueue_dma source(%arg6 : memref<128x64xf32, #tpu.memory_space<vmem>>) target(%dma_start3A_470 : memref<128x64xf32, #tpu.memory_space<hbm>>) target_semaphore(%run_scoped3A : memref<!tpu.dma_semaphore, #tpu.memory_space<semaphore_mem>>)
      %dma_wait3A_471 = arith.constant 0 : i32
      %dma_wait3A_472 = tpu.memref_slice %arg4[%add3A_347, %dma_wait3A_471] : memref<106496x64xf32, #tpu.memory_space<hbm>> -> memref<128x64xf32, #tpu.memory_space<hbm>>
      %dma_wait3A_473 = arith.constant 0 : i32
      %dma_wait3A_474 = tpu.memref_slice %arg4[%add3A_347, %dma_wait3A_473] : memref<106496x64xf32, #tpu.memory_space<hbm>> -> memref<128x64xf32, #tpu.memory_space<hbm>>
      tpu.wait_dma2 semaphore(%run_scoped3A : memref<!tpu.dma_semaphore, #tpu.memory_space<semaphore_mem>>) src(%arg6 : memref<128x64xf32, #tpu.memory_space<vmem>>) dst(%dma_wait3A_474 : memref<128x64xf32, #tpu.memory_space<hbm>>)
      tpu.yield
    }) : () -> ()
    %dma_start3A_348 = arith.constant 20 : i32
    %dma_start3A_349 = arith.constant 0 : i32
    %dma_start3A_350 = tpu.memref_slice %arg5[%dma_start3A_348, %dma_start3A_349] : memref<26x128xi32, #tpu.memory_space<vmem>> -> memref<1x128xi32, #tpu.memory_space<vmem>>
    %dma_start3A_351 = tpu.memref_squeeze %dma_start3A_350 : memref<1x128xi32, #tpu.memory_space<vmem>> -> memref<128xi32, #tpu.memory_space<vmem>>
    %dma_start3A_352 = arith.constant 0 : i32
    %dma_start3A_353 = arith.constant 0 : i32
    %dma_start3A_354 = tpu.memref_slice %arg3[%dma_start3A_352, %dma_start3A_353] : memref<1000000x64xf32, #tpu.memory_space<hbm>> -> memref<1000000x64xf32, #tpu.memory_space<hbm>>
    tpu.enqueue_indirect_dma source(%dma_start3A_354 : memref<1000000x64xf32, #tpu.memory_space<hbm>>) target(%arg6 : memref<128x64xf32, #tpu.memory_space<vmem>>) offsets(%dma_start3A_351 : memref<128xi32, #tpu.memory_space<vmem>>) semaphore(%arg8 : memref<!tpu.dma_semaphore, #tpu.memory_space<semaphore_mem>>)
    %dma_wait3A_355 = arith.constant 19 : i32
    %dma_wait3A_356 = arith.constant 0 : i32
    %dma_wait3A_357 = tpu.memref_slice %arg5[%dma_wait3A_355, %dma_wait3A_356] : memref<26x128xi32, #tpu.memory_space<vmem>> -> memref<1x128xi32, #tpu.memory_space<vmem>>
    %dma_wait3A_358 = tpu.memref_squeeze %dma_wait3A_357 : memref<1x128xi32, #tpu.memory_space<vmem>> -> memref<128xi32, #tpu.memory_space<vmem>>
    %dma_wait3A_359 = arith.constant 0 : i32
    %dma_wait3A_360 = arith.constant 0 : i32
    %dma_wait3A_361 = tpu.memref_slice %arg3[%dma_wait3A_359, %dma_wait3A_360] : memref<1000000x64xf32, #tpu.memory_space<hbm>> -> memref<1000000x64xf32, #tpu.memory_space<hbm>>
    tpu.wait_indirect_dma semaphore(%arg9 : memref<!tpu.dma_semaphore, #tpu.memory_space<semaphore_mem>>) src(%dma_wait3A_361 : memref<1000000x64xf32, #tpu.memory_space<hbm>>) dst(%arg7 : memref<128x64xf32, #tpu.memory_space<vmem>>)
    %mul3A_362 = arith.constant 3328 : i32
    %mul3A_363 = arith.muli %add3A, %mul3A_362 : i32
    %add3A_364 = arith.constant 2432 : i32
    %add3A_365 = arith.addi %mul3A_363, %add3A_364 : i32
    "tpu.region"() ({
      %run_scoped3A = tpu.sem_alloc : memref<!tpu.dma_semaphore, #tpu.memory_space<semaphore_mem>>
      %dma_start3A_467 = arith.constant 0 : i32
      %dma_start3A_468 = tpu.memref_slice %arg4[%add3A_365, %dma_start3A_467] : memref<106496x64xf32, #tpu.memory_space<hbm>> -> memref<128x64xf32, #tpu.memory_space<hbm>>
      %dma_start3A_469 = arith.constant 0 : i32
      %dma_start3A_470 = tpu.memref_slice %arg4[%add3A_365, %dma_start3A_469] : memref<106496x64xf32, #tpu.memory_space<hbm>> -> memref<128x64xf32, #tpu.memory_space<hbm>>
      tpu.enqueue_dma source(%arg7 : memref<128x64xf32, #tpu.memory_space<vmem>>) target(%dma_start3A_470 : memref<128x64xf32, #tpu.memory_space<hbm>>) target_semaphore(%run_scoped3A : memref<!tpu.dma_semaphore, #tpu.memory_space<semaphore_mem>>)
      %dma_wait3A_471 = arith.constant 0 : i32
      %dma_wait3A_472 = tpu.memref_slice %arg4[%add3A_365, %dma_wait3A_471] : memref<106496x64xf32, #tpu.memory_space<hbm>> -> memref<128x64xf32, #tpu.memory_space<hbm>>
      %dma_wait3A_473 = arith.constant 0 : i32
      %dma_wait3A_474 = tpu.memref_slice %arg4[%add3A_365, %dma_wait3A_473] : memref<106496x64xf32, #tpu.memory_space<hbm>> -> memref<128x64xf32, #tpu.memory_space<hbm>>
      tpu.wait_dma2 semaphore(%run_scoped3A : memref<!tpu.dma_semaphore, #tpu.memory_space<semaphore_mem>>) src(%arg7 : memref<128x64xf32, #tpu.memory_space<vmem>>) dst(%dma_wait3A_474 : memref<128x64xf32, #tpu.memory_space<hbm>>)
      tpu.yield
    }) : () -> ()
    %dma_start3A_366 = arith.constant 21 : i32
    %dma_start3A_367 = arith.constant 0 : i32
    %dma_start3A_368 = tpu.memref_slice %arg5[%dma_start3A_366, %dma_start3A_367] : memref<26x128xi32, #tpu.memory_space<vmem>> -> memref<1x128xi32, #tpu.memory_space<vmem>>
    %dma_start3A_369 = tpu.memref_squeeze %dma_start3A_368 : memref<1x128xi32, #tpu.memory_space<vmem>> -> memref<128xi32, #tpu.memory_space<vmem>>
    %dma_start3A_370 = arith.constant 0 : i32
    %dma_start3A_371 = arith.constant 0 : i32
    %dma_start3A_372 = tpu.memref_slice %arg3[%dma_start3A_370, %dma_start3A_371] : memref<1000000x64xf32, #tpu.memory_space<hbm>> -> memref<1000000x64xf32, #tpu.memory_space<hbm>>
    tpu.enqueue_indirect_dma source(%dma_start3A_372 : memref<1000000x64xf32, #tpu.memory_space<hbm>>) target(%arg7 : memref<128x64xf32, #tpu.memory_space<vmem>>) offsets(%dma_start3A_369 : memref<128xi32, #tpu.memory_space<vmem>>) semaphore(%arg9 : memref<!tpu.dma_semaphore, #tpu.memory_space<semaphore_mem>>)
    %dma_wait3A_373 = arith.constant 20 : i32
    %dma_wait3A_374 = arith.constant 0 : i32
    %dma_wait3A_375 = tpu.memref_slice %arg5[%dma_wait3A_373, %dma_wait3A_374] : memref<26x128xi32, #tpu.memory_space<vmem>> -> memref<1x128xi32, #tpu.memory_space<vmem>>
    %dma_wait3A_376 = tpu.memref_squeeze %dma_wait3A_375 : memref<1x128xi32, #tpu.memory_space<vmem>> -> memref<128xi32, #tpu.memory_space<vmem>>
    %dma_wait3A_377 = arith.constant 0 : i32
    %dma_wait3A_378 = arith.constant 0 : i32
    %dma_wait3A_379 = tpu.memref_slice %arg3[%dma_wait3A_377, %dma_wait3A_378] : memref<1000000x64xf32, #tpu.memory_space<hbm>> -> memref<1000000x64xf32, #tpu.memory_space<hbm>>
    tpu.wait_indirect_dma semaphore(%arg8 : memref<!tpu.dma_semaphore, #tpu.memory_space<semaphore_mem>>) src(%dma_wait3A_379 : memref<1000000x64xf32, #tpu.memory_space<hbm>>) dst(%arg6 : memref<128x64xf32, #tpu.memory_space<vmem>>)
    %mul3A_380 = arith.constant 3328 : i32
    %mul3A_381 = arith.muli %add3A, %mul3A_380 : i32
    %add3A_382 = arith.constant 2560 : i32
    %add3A_383 = arith.addi %mul3A_381, %add3A_382 : i32
    "tpu.region"() ({
      %run_scoped3A = tpu.sem_alloc : memref<!tpu.dma_semaphore, #tpu.memory_space<semaphore_mem>>
      %dma_start3A_467 = arith.constant 0 : i32
      %dma_start3A_468 = tpu.memref_slice %arg4[%add3A_383, %dma_start3A_467] : memref<106496x64xf32, #tpu.memory_space<hbm>> -> memref<128x64xf32, #tpu.memory_space<hbm>>
      %dma_start3A_469 = arith.constant 0 : i32
      %dma_start3A_470 = tpu.memref_slice %arg4[%add3A_383, %dma_start3A_469] : memref<106496x64xf32, #tpu.memory_space<hbm>> -> memref<128x64xf32, #tpu.memory_space<hbm>>
      tpu.enqueue_dma source(%arg6 : memref<128x64xf32, #tpu.memory_space<vmem>>) target(%dma_start3A_470 : memref<128x64xf32, #tpu.memory_space<hbm>>) target_semaphore(%run_scoped3A : memref<!tpu.dma_semaphore, #tpu.memory_space<semaphore_mem>>)
      %dma_wait3A_471 = arith.constant 0 : i32
      %dma_wait3A_472 = tpu.memref_slice %arg4[%add3A_383, %dma_wait3A_471] : memref<106496x64xf32, #tpu.memory_space<hbm>> -> memref<128x64xf32, #tpu.memory_space<hbm>>
      %dma_wait3A_473 = arith.constant 0 : i32
      %dma_wait3A_474 = tpu.memref_slice %arg4[%add3A_383, %dma_wait3A_473] : memref<106496x64xf32, #tpu.memory_space<hbm>> -> memref<128x64xf32, #tpu.memory_space<hbm>>
      tpu.wait_dma2 semaphore(%run_scoped3A : memref<!tpu.dma_semaphore, #tpu.memory_space<semaphore_mem>>) src(%arg6 : memref<128x64xf32, #tpu.memory_space<vmem>>) dst(%dma_wait3A_474 : memref<128x64xf32, #tpu.memory_space<hbm>>)
      tpu.yield
    }) : () -> ()
    %dma_start3A_384 = arith.constant 22 : i32
    %dma_start3A_385 = arith.constant 0 : i32
    %dma_start3A_386 = tpu.memref_slice %arg5[%dma_start3A_384, %dma_start3A_385] : memref<26x128xi32, #tpu.memory_space<vmem>> -> memref<1x128xi32, #tpu.memory_space<vmem>>
    %dma_start3A_387 = tpu.memref_squeeze %dma_start3A_386 : memref<1x128xi32, #tpu.memory_space<vmem>> -> memref<128xi32, #tpu.memory_space<vmem>>
    %dma_start3A_388 = arith.constant 0 : i32
    %dma_start3A_389 = arith.constant 0 : i32
    %dma_start3A_390 = tpu.memref_slice %arg3[%dma_start3A_388, %dma_start3A_389] : memref<1000000x64xf32, #tpu.memory_space<hbm>> -> memref<1000000x64xf32, #tpu.memory_space<hbm>>
    tpu.enqueue_indirect_dma source(%dma_start3A_390 : memref<1000000x64xf32, #tpu.memory_space<hbm>>) target(%arg6 : memref<128x64xf32, #tpu.memory_space<vmem>>) offsets(%dma_start3A_387 : memref<128xi32, #tpu.memory_space<vmem>>) semaphore(%arg8 : memref<!tpu.dma_semaphore, #tpu.memory_space<semaphore_mem>>)
    %dma_wait3A_391 = arith.constant 21 : i32
    %dma_wait3A_392 = arith.constant 0 : i32
    %dma_wait3A_393 = tpu.memref_slice %arg5[%dma_wait3A_391, %dma_wait3A_392] : memref<26x128xi32, #tpu.memory_space<vmem>> -> memref<1x128xi32, #tpu.memory_space<vmem>>
    %dma_wait3A_394 = tpu.memref_squeeze %dma_wait3A_393 : memref<1x128xi32, #tpu.memory_space<vmem>> -> memref<128xi32, #tpu.memory_space<vmem>>
    %dma_wait3A_395 = arith.constant 0 : i32
    %dma_wait3A_396 = arith.constant 0 : i32
    %dma_wait3A_397 = tpu.memref_slice %arg3[%dma_wait3A_395, %dma_wait3A_396] : memref<1000000x64xf32, #tpu.memory_space<hbm>> -> memref<1000000x64xf32, #tpu.memory_space<hbm>>
    tpu.wait_indirect_dma semaphore(%arg9 : memref<!tpu.dma_semaphore, #tpu.memory_space<semaphore_mem>>) src(%dma_wait3A_397 : memref<1000000x64xf32, #tpu.memory_space<hbm>>) dst(%arg7 : memref<128x64xf32, #tpu.memory_space<vmem>>)
    %mul3A_398 = arith.constant 3328 : i32
    %mul3A_399 = arith.muli %add3A, %mul3A_398 : i32
    %add3A_400 = arith.constant 2688 : i32
    %add3A_401 = arith.addi %mul3A_399, %add3A_400 : i32
    "tpu.region"() ({
      %run_scoped3A = tpu.sem_alloc : memref<!tpu.dma_semaphore, #tpu.memory_space<semaphore_mem>>
      %dma_start3A_467 = arith.constant 0 : i32
      %dma_start3A_468 = tpu.memref_slice %arg4[%add3A_401, %dma_start3A_467] : memref<106496x64xf32, #tpu.memory_space<hbm>> -> memref<128x64xf32, #tpu.memory_space<hbm>>
      %dma_start3A_469 = arith.constant 0 : i32
      %dma_start3A_470 = tpu.memref_slice %arg4[%add3A_401, %dma_start3A_469] : memref<106496x64xf32, #tpu.memory_space<hbm>> -> memref<128x64xf32, #tpu.memory_space<hbm>>
      tpu.enqueue_dma source(%arg7 : memref<128x64xf32, #tpu.memory_space<vmem>>) target(%dma_start3A_470 : memref<128x64xf32, #tpu.memory_space<hbm>>) target_semaphore(%run_scoped3A : memref<!tpu.dma_semaphore, #tpu.memory_space<semaphore_mem>>)
      %dma_wait3A_471 = arith.constant 0 : i32
      %dma_wait3A_472 = tpu.memref_slice %arg4[%add3A_401, %dma_wait3A_471] : memref<106496x64xf32, #tpu.memory_space<hbm>> -> memref<128x64xf32, #tpu.memory_space<hbm>>
      %dma_wait3A_473 = arith.constant 0 : i32
      %dma_wait3A_474 = tpu.memref_slice %arg4[%add3A_401, %dma_wait3A_473] : memref<106496x64xf32, #tpu.memory_space<hbm>> -> memref<128x64xf32, #tpu.memory_space<hbm>>
      tpu.wait_dma2 semaphore(%run_scoped3A : memref<!tpu.dma_semaphore, #tpu.memory_space<semaphore_mem>>) src(%arg7 : memref<128x64xf32, #tpu.memory_space<vmem>>) dst(%dma_wait3A_474 : memref<128x64xf32, #tpu.memory_space<hbm>>)
      tpu.yield
    }) : () -> ()
    %dma_start3A_402 = arith.constant 23 : i32
    %dma_start3A_403 = arith.constant 0 : i32
    %dma_start3A_404 = tpu.memref_slice %arg5[%dma_start3A_402, %dma_start3A_403] : memref<26x128xi32, #tpu.memory_space<vmem>> -> memref<1x128xi32, #tpu.memory_space<vmem>>
    %dma_start3A_405 = tpu.memref_squeeze %dma_start3A_404 : memref<1x128xi32, #tpu.memory_space<vmem>> -> memref<128xi32, #tpu.memory_space<vmem>>
    %dma_start3A_406 = arith.constant 0 : i32
    %dma_start3A_407 = arith.constant 0 : i32
    %dma_start3A_408 = tpu.memref_slice %arg3[%dma_start3A_406, %dma_start3A_407] : memref<1000000x64xf32, #tpu.memory_space<hbm>> -> memref<1000000x64xf32, #tpu.memory_space<hbm>>
    tpu.enqueue_indirect_dma source(%dma_start3A_408 : memref<1000000x64xf32, #tpu.memory_space<hbm>>) target(%arg7 : memref<128x64xf32, #tpu.memory_space<vmem>>) offsets(%dma_start3A_405 : memref<128xi32, #tpu.memory_space<vmem>>) semaphore(%arg9 : memref<!tpu.dma_semaphore, #tpu.memory_space<semaphore_mem>>)
    %dma_wait3A_409 = arith.constant 22 : i32
    %dma_wait3A_410 = arith.constant 0 : i32
    %dma_wait3A_411 = tpu.memref_slice %arg5[%dma_wait3A_409, %dma_wait3A_410] : memref<26x128xi32, #tpu.memory_space<vmem>> -> memref<1x128xi32, #tpu.memory_space<vmem>>
    %dma_wait3A_412 = tpu.memref_squeeze %dma_wait3A_411 : memref<1x128xi32, #tpu.memory_space<vmem>> -> memref<128xi32, #tpu.memory_space<vmem>>
    %dma_wait3A_413 = arith.constant 0 : i32
    %dma_wait3A_414 = arith.constant 0 : i32
    %dma_wait3A_415 = tpu.memref_slice %arg3[%dma_wait3A_413, %dma_wait3A_414] : memref<1000000x64xf32, #tpu.memory_space<hbm>> -> memref<1000000x64xf32, #tpu.memory_space<hbm>>
    tpu.wait_indirect_dma semaphore(%arg8 : memref<!tpu.dma_semaphore, #tpu.memory_space<semaphore_mem>>) src(%dma_wait3A_415 : memref<1000000x64xf32, #tpu.memory_space<hbm>>) dst(%arg6 : memref<128x64xf32, #tpu.memory_space<vmem>>)
    %mul3A_416 = arith.constant 3328 : i32
    %mul3A_417 = arith.muli %add3A, %mul3A_416 : i32
    %add3A_418 = arith.constant 2816 : i32
    %add3A_419 = arith.addi %mul3A_417, %add3A_418 : i32
    "tpu.region"() ({
      %run_scoped3A = tpu.sem_alloc : memref<!tpu.dma_semaphore, #tpu.memory_space<semaphore_mem>>
      %dma_start3A_467 = arith.constant 0 : i32
      %dma_start3A_468 = tpu.memref_slice %arg4[%add3A_419, %dma_start3A_467] : memref<106496x64xf32, #tpu.memory_space<hbm>> -> memref<128x64xf32, #tpu.memory_space<hbm>>
      %dma_start3A_469 = arith.constant 0 : i32
      %dma_start3A_470 = tpu.memref_slice %arg4[%add3A_419, %dma_start3A_469] : memref<106496x64xf32, #tpu.memory_space<hbm>> -> memref<128x64xf32, #tpu.memory_space<hbm>>
      tpu.enqueue_dma source(%arg6 : memref<128x64xf32, #tpu.memory_space<vmem>>) target(%dma_start3A_470 : memref<128x64xf32, #tpu.memory_space<hbm>>) target_semaphore(%run_scoped3A : memref<!tpu.dma_semaphore, #tpu.memory_space<semaphore_mem>>)
      %dma_wait3A_471 = arith.constant 0 : i32
      %dma_wait3A_472 = tpu.memref_slice %arg4[%add3A_419, %dma_wait3A_471] : memref<106496x64xf32, #tpu.memory_space<hbm>> -> memref<128x64xf32, #tpu.memory_space<hbm>>
      %dma_wait3A_473 = arith.constant 0 : i32
      %dma_wait3A_474 = tpu.memref_slice %arg4[%add3A_419, %dma_wait3A_473] : memref<106496x64xf32, #tpu.memory_space<hbm>> -> memref<128x64xf32, #tpu.memory_space<hbm>>
      tpu.wait_dma2 semaphore(%run_scoped3A : memref<!tpu.dma_semaphore, #tpu.memory_space<semaphore_mem>>) src(%arg6 : memref<128x64xf32, #tpu.memory_space<vmem>>) dst(%dma_wait3A_474 : memref<128x64xf32, #tpu.memory_space<hbm>>)
      tpu.yield
    }) : () -> ()
    %dma_start3A_420 = arith.constant 24 : i32
    %dma_start3A_421 = arith.constant 0 : i32
    %dma_start3A_422 = tpu.memref_slice %arg5[%dma_start3A_420, %dma_start3A_421] : memref<26x128xi32, #tpu.memory_space<vmem>> -> memref<1x128xi32, #tpu.memory_space<vmem>>
    %dma_start3A_423 = tpu.memref_squeeze %dma_start3A_422 : memref<1x128xi32, #tpu.memory_space<vmem>> -> memref<128xi32, #tpu.memory_space<vmem>>
    %dma_start3A_424 = arith.constant 0 : i32
    %dma_start3A_425 = arith.constant 0 : i32
    %dma_start3A_426 = tpu.memref_slice %arg3[%dma_start3A_424, %dma_start3A_425] : memref<1000000x64xf32, #tpu.memory_space<hbm>> -> memref<1000000x64xf32, #tpu.memory_space<hbm>>
    tpu.enqueue_indirect_dma source(%dma_start3A_426 : memref<1000000x64xf32, #tpu.memory_space<hbm>>) target(%arg6 : memref<128x64xf32, #tpu.memory_space<vmem>>) offsets(%dma_start3A_423 : memref<128xi32, #tpu.memory_space<vmem>>) semaphore(%arg8 : memref<!tpu.dma_semaphore, #tpu.memory_space<semaphore_mem>>)
    %dma_wait3A_427 = arith.constant 23 : i32
    %dma_wait3A_428 = arith.constant 0 : i32
    %dma_wait3A_429 = tpu.memref_slice %arg5[%dma_wait3A_427, %dma_wait3A_428] : memref<26x128xi32, #tpu.memory_space<vmem>> -> memref<1x128xi32, #tpu.memory_space<vmem>>
    %dma_wait3A_430 = tpu.memref_squeeze %dma_wait3A_429 : memref<1x128xi32, #tpu.memory_space<vmem>> -> memref<128xi32, #tpu.memory_space<vmem>>
    %dma_wait3A_431 = arith.constant 0 : i32
    %dma_wait3A_432 = arith.constant 0 : i32
    %dma_wait3A_433 = tpu.memref_slice %arg3[%dma_wait3A_431, %dma_wait3A_432] : memref<1000000x64xf32, #tpu.memory_space<hbm>> -> memref<1000000x64xf32, #tpu.memory_space<hbm>>
    tpu.wait_indirect_dma semaphore(%arg9 : memref<!tpu.dma_semaphore, #tpu.memory_space<semaphore_mem>>) src(%dma_wait3A_433 : memref<1000000x64xf32, #tpu.memory_space<hbm>>) dst(%arg7 : memref<128x64xf32, #tpu.memory_space<vmem>>)
    %mul3A_434 = arith.constant 3328 : i32
    %mul3A_435 = arith.muli %add3A, %mul3A_434 : i32
    %add3A_436 = arith.constant 2944 : i32
    %add3A_437 = arith.addi %mul3A_435, %add3A_436 : i32
    "tpu.region"() ({
      %run_scoped3A = tpu.sem_alloc : memref<!tpu.dma_semaphore, #tpu.memory_space<semaphore_mem>>
      %dma_start3A_467 = arith.constant 0 : i32
      %dma_start3A_468 = tpu.memref_slice %arg4[%add3A_437, %dma_start3A_467] : memref<106496x64xf32, #tpu.memory_space<hbm>> -> memref<128x64xf32, #tpu.memory_space<hbm>>
      %dma_start3A_469 = arith.constant 0 : i32
      %dma_start3A_470 = tpu.memref_slice %arg4[%add3A_437, %dma_start3A_469] : memref<106496x64xf32, #tpu.memory_space<hbm>> -> memref<128x64xf32, #tpu.memory_space<hbm>>
      tpu.enqueue_dma source(%arg7 : memref<128x64xf32, #tpu.memory_space<vmem>>) target(%dma_start3A_470 : memref<128x64xf32, #tpu.memory_space<hbm>>) target_semaphore(%run_scoped3A : memref<!tpu.dma_semaphore, #tpu.memory_space<semaphore_mem>>)
      %dma_wait3A_471 = arith.constant 0 : i32
      %dma_wait3A_472 = tpu.memref_slice %arg4[%add3A_437, %dma_wait3A_471] : memref<106496x64xf32, #tpu.memory_space<hbm>> -> memref<128x64xf32, #tpu.memory_space<hbm>>
      %dma_wait3A_473 = arith.constant 0 : i32
      %dma_wait3A_474 = tpu.memref_slice %arg4[%add3A_437, %dma_wait3A_473] : memref<106496x64xf32, #tpu.memory_space<hbm>> -> memref<128x64xf32, #tpu.memory_space<hbm>>
      tpu.wait_dma2 semaphore(%run_scoped3A : memref<!tpu.dma_semaphore, #tpu.memory_space<semaphore_mem>>) src(%arg7 : memref<128x64xf32, #tpu.memory_space<vmem>>) dst(%dma_wait3A_474 : memref<128x64xf32, #tpu.memory_space<hbm>>)
      tpu.yield
    }) : () -> ()
    %dma_start3A_438 = arith.constant 25 : i32
    %dma_start3A_439 = arith.constant 0 : i32
    %dma_start3A_440 = tpu.memref_slice %arg5[%dma_start3A_438, %dma_start3A_439] : memref<26x128xi32, #tpu.memory_space<vmem>> -> memref<1x128xi32, #tpu.memory_space<vmem>>
    %dma_start3A_441 = tpu.memref_squeeze %dma_start3A_440 : memref<1x128xi32, #tpu.memory_space<vmem>> -> memref<128xi32, #tpu.memory_space<vmem>>
    %dma_start3A_442 = arith.constant 0 : i32
    %dma_start3A_443 = arith.constant 0 : i32
    %dma_start3A_444 = tpu.memref_slice %arg3[%dma_start3A_442, %dma_start3A_443] : memref<1000000x64xf32, #tpu.memory_space<hbm>> -> memref<1000000x64xf32, #tpu.memory_space<hbm>>
    tpu.enqueue_indirect_dma source(%dma_start3A_444 : memref<1000000x64xf32, #tpu.memory_space<hbm>>) target(%arg7 : memref<128x64xf32, #tpu.memory_space<vmem>>) offsets(%dma_start3A_441 : memref<128xi32, #tpu.memory_space<vmem>>) semaphore(%arg9 : memref<!tpu.dma_semaphore, #tpu.memory_space<semaphore_mem>>)
    %dma_wait3A_445 = arith.constant 24 : i32
    %dma_wait3A_446 = arith.constant 0 : i32
    %dma_wait3A_447 = tpu.memref_slice %arg5[%dma_wait3A_445, %dma_wait3A_446] : memref<26x128xi32, #tpu.memory_space<vmem>> -> memref<1x128xi32, #tpu.memory_space<vmem>>
    %dma_wait3A_448 = tpu.memref_squeeze %dma_wait3A_447 : memref<1x128xi32, #tpu.memory_space<vmem>> -> memref<128xi32, #tpu.memory_space<vmem>>
    %dma_wait3A_449 = arith.constant 0 : i32
    %dma_wait3A_450 = arith.constant 0 : i32
    %dma_wait3A_451 = tpu.memref_slice %arg3[%dma_wait3A_449, %dma_wait3A_450] : memref<1000000x64xf32, #tpu.memory_space<hbm>> -> memref<1000000x64xf32, #tpu.memory_space<hbm>>
    tpu.wait_indirect_dma semaphore(%arg8 : memref<!tpu.dma_semaphore, #tpu.memory_space<semaphore_mem>>) src(%dma_wait3A_451 : memref<1000000x64xf32, #tpu.memory_space<hbm>>) dst(%arg6 : memref<128x64xf32, #tpu.memory_space<vmem>>)
    %mul3A_452 = arith.constant 3328 : i32
    %mul3A_453 = arith.muli %add3A, %mul3A_452 : i32
    %add3A_454 = arith.constant 3072 : i32
    %add3A_455 = arith.addi %mul3A_453, %add3A_454 : i32
    "tpu.region"() ({
      %run_scoped3A = tpu.sem_alloc : memref<!tpu.dma_semaphore, #tpu.memory_space<semaphore_mem>>
      %dma_start3A_467 = arith.constant 0 : i32
      %dma_start3A_468 = tpu.memref_slice %arg4[%add3A_455, %dma_start3A_467] : memref<106496x64xf32, #tpu.memory_space<hbm>> -> memref<128x64xf32, #tpu.memory_space<hbm>>
      %dma_start3A_469 = arith.constant 0 : i32
      %dma_start3A_470 = tpu.memref_slice %arg4[%add3A_455, %dma_start3A_469] : memref<106496x64xf32, #tpu.memory_space<hbm>> -> memref<128x64xf32, #tpu.memory_space<hbm>>
      tpu.enqueue_dma source(%arg6 : memref<128x64xf32, #tpu.memory_space<vmem>>) target(%dma_start3A_470 : memref<128x64xf32, #tpu.memory_space<hbm>>) target_semaphore(%run_scoped3A : memref<!tpu.dma_semaphore, #tpu.memory_space<semaphore_mem>>)
      %dma_wait3A_471 = arith.constant 0 : i32
      %dma_wait3A_472 = tpu.memref_slice %arg4[%add3A_455, %dma_wait3A_471] : memref<106496x64xf32, #tpu.memory_space<hbm>> -> memref<128x64xf32, #tpu.memory_space<hbm>>
      %dma_wait3A_473 = arith.constant 0 : i32
      %dma_wait3A_474 = tpu.memref_slice %arg4[%add3A_455, %dma_wait3A_473] : memref<106496x64xf32, #tpu.memory_space<hbm>> -> memref<128x64xf32, #tpu.memory_space<hbm>>
      tpu.wait_dma2 semaphore(%run_scoped3A : memref<!tpu.dma_semaphore, #tpu.memory_space<semaphore_mem>>) src(%arg6 : memref<128x64xf32, #tpu.memory_space<vmem>>) dst(%dma_wait3A_474 : memref<128x64xf32, #tpu.memory_space<hbm>>)
      tpu.yield
    }) : () -> ()
    %dma_wait3A_456 = arith.constant 25 : i32
    %dma_wait3A_457 = arith.constant 0 : i32
    %dma_wait3A_458 = tpu.memref_slice %arg5[%dma_wait3A_456, %dma_wait3A_457] : memref<26x128xi32, #tpu.memory_space<vmem>> -> memref<1x128xi32, #tpu.memory_space<vmem>>
    %dma_wait3A_459 = tpu.memref_squeeze %dma_wait3A_458 : memref<1x128xi32, #tpu.memory_space<vmem>> -> memref<128xi32, #tpu.memory_space<vmem>>
    %dma_wait3A_460 = arith.constant 0 : i32
    %dma_wait3A_461 = arith.constant 0 : i32
    %dma_wait3A_462 = tpu.memref_slice %arg3[%dma_wait3A_460, %dma_wait3A_461] : memref<1000000x64xf32, #tpu.memory_space<hbm>> -> memref<1000000x64xf32, #tpu.memory_space<hbm>>
    tpu.wait_indirect_dma semaphore(%arg9 : memref<!tpu.dma_semaphore, #tpu.memory_space<semaphore_mem>>) src(%dma_wait3A_462 : memref<1000000x64xf32, #tpu.memory_space<hbm>>) dst(%arg7 : memref<128x64xf32, #tpu.memory_space<vmem>>)
    %mul3A_463 = arith.constant 3328 : i32
    %mul3A_464 = arith.muli %add3A, %mul3A_463 : i32
    %add3A_465 = arith.constant 3200 : i32
    %add3A_466 = arith.addi %mul3A_464, %add3A_465 : i32
    "tpu.region"() ({
      %run_scoped3A = tpu.sem_alloc : memref<!tpu.dma_semaphore, #tpu.memory_space<semaphore_mem>>
      %dma_start3A_467 = arith.constant 0 : i32
      %dma_start3A_468 = tpu.memref_slice %arg4[%add3A_466, %dma_start3A_467] : memref<106496x64xf32, #tpu.memory_space<hbm>> -> memref<128x64xf32, #tpu.memory_space<hbm>>
      %dma_start3A_469 = arith.constant 0 : i32
      %dma_start3A_470 = tpu.memref_slice %arg4[%add3A_466, %dma_start3A_469] : memref<106496x64xf32, #tpu.memory_space<hbm>> -> memref<128x64xf32, #tpu.memory_space<hbm>>
      tpu.enqueue_dma source(%arg7 : memref<128x64xf32, #tpu.memory_space<vmem>>) target(%dma_start3A_470 : memref<128x64xf32, #tpu.memory_space<hbm>>) target_semaphore(%run_scoped3A : memref<!tpu.dma_semaphore, #tpu.memory_space<semaphore_mem>>)
      %dma_wait3A_471 = arith.constant 0 : i32
      %dma_wait3A_472 = tpu.memref_slice %arg4[%add3A_466, %dma_wait3A_471] : memref<106496x64xf32, #tpu.memory_space<hbm>> -> memref<128x64xf32, #tpu.memory_space<hbm>>
      %dma_wait3A_473 = arith.constant 0 : i32
      %dma_wait3A_474 = tpu.memref_slice %arg4[%add3A_466, %dma_wait3A_473] : memref<106496x64xf32, #tpu.memory_space<hbm>> -> memref<128x64xf32, #tpu.memory_space<hbm>>
      tpu.wait_dma2 semaphore(%run_scoped3A : memref<!tpu.dma_semaphore, #tpu.memory_space<semaphore_mem>>) src(%arg7 : memref<128x64xf32, #tpu.memory_space<vmem>>) dst(%dma_wait3A_474 : memref<128x64xf32, #tpu.memory_space<hbm>>)
      tpu.yield
    }) : () -> ()
    return
  }
}

module attributes {stable_mosaic.version = 14 : i64} {
  func.func @_tc_forward(%arg0: i32, %arg1: memref<512x13xf32, #tpu.memory_space<vmem>>, %arg2: memref<26x512x64xf32, #tpu.memory_space<vmem>>, %arg3: memref<13x512xf32, #tpu.memory_space<vmem>>, %arg4: memref<512x1xf32, #tpu.memory_space<vmem>>, %arg5: memref<512x256xf32, #tpu.memory_space<vmem>>, %arg6: memref<256x1xf32, #tpu.memory_space<vmem>>, %arg7: memref<256x64xf32, #tpu.memory_space<vmem>>, %arg8: memref<64x1xf32, #tpu.memory_space<vmem>>, %arg9: memref<448x512xf32, #tpu.memory_space<vmem>>, %arg10: memref<27x32x512xf32, #tpu.memory_space<vmem>>, %arg11: memref<512x1xf32, #tpu.memory_space<vmem>>, %arg12: memref<512x256xf32, #tpu.memory_space<vmem>>, %arg13: memref<256x1xf32, #tpu.memory_space<vmem>>, %arg14: memref<256x1xf32, #tpu.memory_space<vmem>>, %arg15: memref<1x1xf32, #tpu.memory_space<vmem>>, %arg16: memref<1x512xf32, #tpu.memory_space<vmem>>, %arg17: memref<53x64x512xf32, #tpu.memory_space<vmem>>, %arg18: memref<512x512xf32, #tpu.memory_space<vmem>>) attributes {dimension_semantics = [#tpu.dimension_semantics<arbitrary>], iteration_bounds = array<i64: 8>, scalar_prefetch = 0 : i64, scratch_operands = 2 : i64, tpu.core_type = #tpu.core_type<tc>, window_params = [{transform_indices = @transform_0, window_bounds = array<i64: 512, 13>}, {transform_indices = @transform_1, window_bounds = array<i64: 26, 512, 64>}, {pipeline_mode = #tpu.pipeline_mode<synchronous>, transform_indices = @transform_2, window_bounds = array<i64: 13, 512>}, {pipeline_mode = #tpu.pipeline_mode<synchronous>, transform_indices = @transform_3, window_bounds = array<i64: 512, 1>}, {pipeline_mode = #tpu.pipeline_mode<synchronous>, transform_indices = @transform_4, window_bounds = array<i64: 512, 256>}, {pipeline_mode = #tpu.pipeline_mode<synchronous>, transform_indices = @transform_5, window_bounds = array<i64: 256, 1>}, {pipeline_mode = #tpu.pipeline_mode<synchronous>, transform_indices = @transform_6, window_bounds = array<i64: 256, 64>}, {pipeline_mode = #tpu.pipeline_mode<synchronous>, transform_indices = @transform_7, window_bounds = array<i64: 64, 1>}, {pipeline_mode = #tpu.pipeline_mode<synchronous>, transform_indices = @transform_8, window_bounds = array<i64: 448, 512>}, {pipeline_mode = #tpu.pipeline_mode<synchronous>, transform_indices = @transform_9, window_bounds = array<i64: 27, 32, 512>}, {pipeline_mode = #tpu.pipeline_mode<synchronous>, transform_indices = @transform_10, window_bounds = array<i64: 512, 1>}, {pipeline_mode = #tpu.pipeline_mode<synchronous>, transform_indices = @transform_11, window_bounds = array<i64: 512, 256>}, {pipeline_mode = #tpu.pipeline_mode<synchronous>, transform_indices = @transform_12, window_bounds = array<i64: 256, 1>}, {pipeline_mode = #tpu.pipeline_mode<synchronous>, transform_indices = @transform_13, window_bounds = array<i64: 256, 1>}, {pipeline_mode = #tpu.pipeline_mode<synchronous>, transform_indices = @transform_14, window_bounds = array<i64: 1, 1>}, {transform_indices = @transform_15, window_bounds = array<i64: 1, 512>}]} {
    %get3A = arith.constant 0 : index
    %get3A_0 = arith.constant 0 : index
    %get3A_1 = vector.load %arg1[%get3A, %get3A_0] : memref<512x13xf32, #tpu.memory_space<vmem>>, vector<512x13xf32>
    %transpose3A = tpu.transpose %get3A_1, [1, 0] : vector<512x13xf32> -> vector<13x512xf32>
    %get3A_2 = arith.constant 0 : index
    %get3A_3 = arith.constant 0 : index
    %get3A_4 = vector.load %arg3[%get3A_2, %get3A_3] : memref<13x512xf32, #tpu.memory_space<vmem>>, vector<13x512xf32>
    %dot_general3A = arith.constant dense<0.000000e+00> : vector<512x512xf32>
    %dot_general3A_5 = tpu.matmul %get3A_4, %transpose3A, %dot_general3A {dimension_numbers = #tpu.dot_dimension_numbers<[0], [0], [1], [1], [0, 1, 1, 1], [], []>, transpose_lhs_hint = false} : vector<13x512xf32>, vector<13x512xf32>, vector<512x512xf32> -> vector<512x512xf32>
    %get3A_6 = arith.constant 0 : index
    %get3A_7 = arith.constant 0 : index
    %get3A_8 = vector.load %arg4[%get3A_6, %get3A_7] : memref<512x1xf32, #tpu.memory_space<vmem>>, vector<512x1xf32>
    %add3A = vector.broadcast %get3A_8 : vector<512x1xf32> to vector<512x512xf32>
    %add3A_9 = arith.addf %dot_general3A_5, %add3A : vector<512x512xf32>
    %max3A = arith.constant 0.000000e+00 : f32
    %max3A_10 = vector.broadcast %max3A : f32 to vector<512x512xf32>
    %max3A_11 = arith.maximumf %add3A_9, %max3A_10 : vector<512x512xf32>
    %get3A_12 = arith.constant 0 : index
    %get3A_13 = arith.constant 0 : index
    %get3A_14 = vector.load %arg5[%get3A_12, %get3A_13] : memref<512x256xf32, #tpu.memory_space<vmem>>, vector<512x256xf32>
    %dot_general3A_15 = arith.constant dense<0.000000e+00> : vector<256x512xf32>
    %dot_general3A_16 = tpu.matmul %get3A_14, %max3A_11, %dot_general3A_15 {dimension_numbers = #tpu.dot_dimension_numbers<[0], [0], [1], [1], [0, 1, 1, 1], [], []>, transpose_lhs_hint = false} : vector<512x256xf32>, vector<512x512xf32>, vector<256x512xf32> -> vector<256x512xf32>
    %get3A_17 = arith.constant 0 : index
    %get3A_18 = arith.constant 0 : index
    %get3A_19 = vector.load %arg6[%get3A_17, %get3A_18] : memref<256x1xf32, #tpu.memory_space<vmem>>, vector<256x1xf32>
    %add3A_20 = vector.broadcast %get3A_19 : vector<256x1xf32> to vector<256x512xf32>
    %add3A_21 = arith.addf %dot_general3A_16, %add3A_20 : vector<256x512xf32>
    %max3A_22 = arith.constant 0.000000e+00 : f32
    %max3A_23 = vector.broadcast %max3A_22 : f32 to vector<256x512xf32>
    %max3A_24 = arith.maximumf %add3A_21, %max3A_23 : vector<256x512xf32>
    %get3A_25 = arith.constant 0 : index
    %get3A_26 = arith.constant 0 : index
    %get3A_27 = vector.load %arg7[%get3A_25, %get3A_26] : memref<256x64xf32, #tpu.memory_space<vmem>>, vector<256x64xf32>
    %dot_general3A_28 = arith.constant dense<0.000000e+00> : vector<64x512xf32>
    %dot_general3A_29 = tpu.matmul %get3A_27, %max3A_24, %dot_general3A_28 {dimension_numbers = #tpu.dot_dimension_numbers<[0], [0], [1], [1], [0, 1, 1, 1], [], []>, transpose_lhs_hint = false} : vector<256x64xf32>, vector<256x512xf32>, vector<64x512xf32> -> vector<64x512xf32>
    %get3A_30 = arith.constant 0 : index
    %get3A_31 = arith.constant 0 : index
    %get3A_32 = vector.load %arg8[%get3A_30, %get3A_31] : memref<64x1xf32, #tpu.memory_space<vmem>>, vector<64x1xf32>
    %add3A_33 = vector.broadcast %get3A_32 : vector<64x1xf32> to vector<64x512xf32>
    %add3A_34 = arith.addf %dot_general3A_29, %add3A_33 : vector<64x512xf32>
    %max3A_35 = arith.constant 0.000000e+00 : f32
    %max3A_36 = vector.broadcast %max3A_35 : f32 to vector<64x512xf32>
    %max3A_37 = arith.maximumf %add3A_34, %max3A_36 : vector<64x512xf32>
    %swap3A = arith.constant 0 : index
    %swap3A_38 = arith.constant 0 : index
    %swap3A_39 = arith.constant 0 : index
    %swap3A_40 = vector.load %arg17[%swap3A, %swap3A_38, %swap3A_39] : memref<53x64x512xf32, #tpu.memory_space<vmem>>, vector<1x64x512xf32>
    %swap3A_41 = vector.shape_cast %swap3A_40 : vector<1x64x512xf32> to vector<64x512xf32>
    %swap3A_42 = vector.shape_cast %max3A_37 : vector<64x512xf32> to vector<1x64x512xf32>
    tpu.vector_store %arg17[%swap3A, %swap3A_38, %swap3A_39], %swap3A_42 {strides = array<i32>} : memref<53x64x512xf32, #tpu.memory_space<vmem>>, vector<1x64x512xf32>,
    %get3A_43 = arith.constant 0 : index
    %get3A_44 = arith.constant 0 : index
    %get3A_45 = arith.constant 0 : index
    %get3A_46 = vector.load %arg2[%get3A_43, %get3A_44, %get3A_45] : memref<26x512x64xf32, #tpu.memory_space<vmem>>, vector<26x512x64xf32>
    %transpose3A_47 = tpu.transpose %get3A_46, [0, 2, 1] : vector<26x512x64xf32> -> vector<26x64x512xf32>
    %swap3A_48 = arith.constant 1 : index
    %swap3A_49 = arith.constant 0 : index
    %swap3A_50 = arith.constant 0 : index
    %swap3A_51 = vector.load %arg17[%swap3A_48, %swap3A_49, %swap3A_50] : memref<53x64x512xf32, #tpu.memory_space<vmem>>, vector<26x64x512xf32>
    tpu.vector_store %arg17[%swap3A_48, %swap3A_49, %swap3A_50], %transpose3A_47 {strides = array<i32>} : memref<53x64x512xf32, #tpu.memory_space<vmem>>, vector<26x64x512xf32>,
    %broadcast_in_dim3A = arith.constant 0.000000e+00 : f32
    %broadcast_in_dim3A_52 = vector.broadcast %broadcast_in_dim3A : f32 to vector<26x64x512xf32>
    %swap3A_53 = arith.constant 27 : index
    %swap3A_54 = arith.constant 0 : index
    %swap3A_55 = arith.constant 0 : index
    %swap3A_56 = vector.load %arg17[%swap3A_53, %swap3A_54, %swap3A_55] : memref<53x64x512xf32, #tpu.memory_space<vmem>>, vector<26x64x512xf32>
    tpu.vector_store %arg17[%swap3A_53, %swap3A_54, %swap3A_55], %broadcast_in_dim3A_52 {strides = array<i32>} : memref<53x64x512xf32, #tpu.memory_space<vmem>>, vector<26x64x512xf32>,
    %get3A_57 = arith.constant 0 : index
    %get3A_58 = arith.constant 0 : index
    %get3A_59 = vector.load %arg9[%get3A_57, %get3A_58] : memref<448x512xf32, #tpu.memory_space<vmem>>, vector<64x512xf32>
    %dot_general3A_60 = arith.constant dense<0.000000e+00> : vector<512x512xf32>
    %dot_general3A_61 = tpu.matmul %get3A_59, %max3A_37, %dot_general3A_60 {dimension_numbers = #tpu.dot_dimension_numbers<[0], [0], [1], [1], [0, 1, 1, 1], [], []>, transpose_lhs_hint = false} : vector<64x512xf32>, vector<64x512xf32>, vector<512x512xf32> -> vector<512x512xf32>
    %get3A_62 = arith.constant 0 : index
    %get3A_63 = arith.constant 0 : index
    %get3A_64 = vector.load %arg11[%get3A_62, %get3A_63] : memref<512x1xf32, #tpu.memory_space<vmem>>, vector<512x1xf32>
    %add3A_65 = vector.broadcast %get3A_64 : vector<512x1xf32> to vector<512x512xf32>
    %add3A_66 = arith.addf %dot_general3A_61, %add3A_65 : vector<512x512xf32>
    %swap3A_67 = arith.constant 0 : index
    %swap3A_68 = arith.constant 0 : index
    %swap3A_69 = vector.load %arg18[%swap3A_67, %swap3A_68] : memref<512x512xf32, #tpu.memory_space<vmem>>, vector<512x512xf32>
    tpu.vector_store %arg18[%swap3A_67, %swap3A_68], %add3A_66 {strides = array<i32>} : memref<512x512xf32, #tpu.memory_space<vmem>>, vector<512x512xf32>,
    %scan3A = arith.constant 0 : i32
    %scan3A_70 = arith.constant 26 : i32
    %scan3A_71 = arith.addi %scan3A, %scan3A_70 : i32
    %scan3A_72 = arith.constant 1 : i32
    scf.for %scan3A_113 = %scan3A to %scan3A_71 step %scan3A_72  : i32 {
      %get3A_114 = arith.index_cast %scan3A_113 : i32 to index
      %get3A_115 = arith.constant 0 : index
      %get3A_116 = arith.constant 0 : index
      %get3A_117 = vector.load %arg17[%get3A_114, %get3A_115, %get3A_116] : memref<53x64x512xf32, #tpu.memory_space<vmem>>, vector<1x64x512xf32>
      %get3A_118 = vector.shape_cast %get3A_117 : vector<1x64x512xf32> to vector<64x512xf32>
      %add3A_119 = arith.constant 1 : i32
      %add3A_120 = arith.addi %scan3A_113, %add3A_119 : i32
      %get3A_121 = arith.index_cast %add3A_120 : i32 to index
      %get3A_122 = arith.constant 0 : index
      %get3A_123 = arith.constant 0 : index
      %get3A_124 = vector.load %arg17[%get3A_121, %get3A_122, %get3A_123] : memref<53x64x512xf32, #tpu.memory_space<vmem>>, vector<26x64x512xf32>
      %broadcast_in_dim3A_125 = vector.shape_cast %get3A_118 : vector<64x512xf32> to vector<1x64x512xf32>
      %mul3A = vector.broadcast %broadcast_in_dim3A_125 : vector<1x64x512xf32> to vector<26x64x512xf32>
      %mul3A_126 = arith.mulf %get3A_124, %mul3A : vector<26x64x512xf32>
      %reduce_sum3A = arith.constant dense<0.000000e+00> : vector<26x512xf32>
      %reduce_sum3A_127 = vector.multi_reduction <add>, %mul3A_126, %reduce_sum3A [1] : vector<26x64x512xf32> to vector<26x512xf32>
      %broadcast_in_dim3A_128 = arith.constant 0.000000e+00 : f32
      %broadcast_in_dim3A_129 = vector.broadcast %broadcast_in_dim3A_128 : f32 to vector<6x512xf32>
      %concatenate3A = tpu.concatenate %reduce_sum3A_127, %broadcast_in_dim3A_129 in 0 : vector<26x512xf32>, vector<6x512xf32> -> vector<32x512xf32>
      %get3A_130 = arith.constant 0 : index
      %get3A_131 = arith.constant 0 : index
      %get3A_132 = vector.load %arg18[%get3A_130, %get3A_131] : memref<512x512xf32, #tpu.memory_space<vmem>>, vector<512x512xf32>
      %get3A_133 = arith.index_cast %scan3A_113 : i32 to index
      %get3A_134 = arith.constant 0 : index
      %get3A_135 = arith.constant 0 : index
      %get3A_136 = vector.load %arg10[%get3A_133, %get3A_134, %get3A_135] : memref<27x32x512xf32, #tpu.memory_space<vmem>>, vector<1x32x512xf32>
      %get3A_137 = vector.shape_cast %get3A_136 : vector<1x32x512xf32> to vector<32x512xf32>
      %dot_general3A_138 = arith.constant dense<0.000000e+00> : vector<512x512xf32>
      %dot_general3A_139 = tpu.matmul %get3A_137, %concatenate3A, %dot_general3A_138 {dimension_numbers = #tpu.dot_dimension_numbers<[0], [0], [1], [1], [0, 1, 1, 1], [], []>, transpose_lhs_hint = false} : vector<32x512xf32>, vector<32x512xf32>, vector<512x512xf32> -> vector<512x512xf32>
      %add3A_140 = arith.addf %get3A_132, %dot_general3A_139 : vector<512x512xf32>
      %swap3A_141 = arith.constant 0 : index
      %swap3A_142 = arith.constant 0 : index
      %swap3A_143 = vector.load %arg18[%swap3A_141, %swap3A_142] : memref<512x512xf32, #tpu.memory_space<vmem>>, vector<512x512xf32>
      tpu.vector_store %arg18[%swap3A_141, %swap3A_142], %add3A_140 {strides = array<i32>} : memref<512x512xf32, #tpu.memory_space<vmem>>, vector<512x512xf32>,
    }
    %scan3A_73 = arith.constant 26 : i32
    %get3A_74 = arith.constant 0 : index
    %get3A_75 = arith.constant 0 : index
    %get3A_76 = vector.load %arg18[%get3A_74, %get3A_75] : memref<512x512xf32, #tpu.memory_space<vmem>>, vector<512x512xf32>
    %max3A_77 = arith.constant 0.000000e+00 : f32
    %max3A_78 = vector.broadcast %max3A_77 : f32 to vector<512x512xf32>
    %max3A_79 = arith.maximumf %get3A_76, %max3A_78 : vector<512x512xf32>
    %get3A_80 = arith.constant 0 : index
    %get3A_81 = arith.constant 0 : index
    %get3A_82 = vector.load %arg12[%get3A_80, %get3A_81] : memref<512x256xf32, #tpu.memory_space<vmem>>, vector<512x256xf32>
    %dot_general3A_83 = arith.constant dense<0.000000e+00> : vector<256x512xf32>
    %dot_general3A_84 = tpu.matmul %get3A_82, %max3A_79, %dot_general3A_83 {dimension_numbers = #tpu.dot_dimension_numbers<[0], [0], [1], [1], [0, 1, 1, 1], [], []>, transpose_lhs_hint = false} : vector<512x256xf32>, vector<512x512xf32>, vector<256x512xf32> -> vector<256x512xf32>
    %get3A_85 = arith.constant 0 : index
    %get3A_86 = arith.constant 0 : index
    %get3A_87 = vector.load %arg13[%get3A_85, %get3A_86] : memref<256x1xf32, #tpu.memory_space<vmem>>, vector<256x1xf32>
    %add3A_88 = vector.broadcast %get3A_87 : vector<256x1xf32> to vector<256x512xf32>
    %add3A_89 = arith.addf %dot_general3A_84, %add3A_88 : vector<256x512xf32>
    %max3A_90 = arith.constant 0.000000e+00 : f32
    %max3A_91 = vector.broadcast %max3A_90 : f32 to vector<256x512xf32>
    %max3A_92 = arith.maximumf %add3A_89, %max3A_91 : vector<256x512xf32>
    %get3A_93 = arith.constant 0 : index
    %get3A_94 = arith.constant 0 : index
    %get3A_95 = vector.load %arg14[%get3A_93, %get3A_94] : memref<256x1xf32, #tpu.memory_space<vmem>>, vector<256x1xf32>
    %dot_general3A_96 = arith.constant dense<0.000000e+00> : vector<1x512xf32>
    %dot_general3A_97 = tpu.matmul %get3A_95, %max3A_92, %dot_general3A_96 {dimension_numbers = #tpu.dot_dimension_numbers<[0], [0], [1], [1], [0, 1, 1, 1], [], []>, transpose_lhs_hint = false} : vector<256x1xf32>, vector<256x512xf32>, vector<1x512xf32> -> vector<1x512xf32>
    %get3A_98 = arith.constant 0 : index
    %get3A_99 = arith.constant 0 : index
    %get3A_100 = vector.load %arg15[%get3A_98, %get3A_99] : memref<1x1xf32, #tpu.memory_space<vmem>>, vector<1x1xf32>
    %add3A_101 = vector.broadcast %get3A_100 : vector<1x1xf32> to vector<1x512xf32>
    %add3A_102 = arith.addf %dot_general3A_97, %add3A_101 : vector<1x512xf32>
    %neg3A = arith.constant 0.000000e+00 : f32
    %neg3A_103 = vector.broadcast %neg3A : f32 to vector<1x512xf32>
    %neg3A_104 = arith.subf %neg3A_103, %add3A_102 : vector<1x512xf32>
    %exp3A = math.exp %neg3A_104 : vector<1x512xf32>
    %add3A_105 = arith.constant 1.000000e+00 : f32
    %add3A_106 = vector.broadcast %add3A_105 : f32 to vector<1x512xf32>
    %add3A_107 = arith.addf %add3A_106, %exp3A : vector<1x512xf32>
    %div3A = arith.constant 1.000000e+00 : f32
    %div3A_108 = vector.broadcast %div3A : f32 to vector<1x512xf32>
    %div3A_109 = arith.divf %div3A_108, %add3A_107 : vector<1x512xf32>
    %swap3A_110 = arith.constant 0 : index
    %swap3A_111 = arith.constant 0 : index
    %swap3A_112 = vector.load %arg16[%swap3A_110, %swap3A_111] : memref<1x512xf32, #tpu.memory_space<vmem>>, vector<1x512xf32>
    tpu.vector_store %arg16[%swap3A_110, %swap3A_111], %div3A_109 {strides = array<i32>} : memref<1x512xf32, #tpu.memory_space<vmem>>, vector<1x512xf32>,
    return
  }
  func.func @transform_0(%arg0: i32) -> (i32, i32) {
    %c0_i32 = arith.constant 0 : i32
    %c0_i32_0 = arith.constant 0 : i32
    return %arg0, %c0_i32 : i32, i32
  }
  func.func @transform_1(%arg0: i32) -> (i32, i32, i32) {
    %c0_i32 = arith.constant 0 : i32
    %c0_i32_0 = arith.constant 0 : i32
    %c0_i32_1 = arith.constant 0 : i32
    return %c0_i32, %arg0, %c0_i32_0 : i32, i32, i32
  }
  func.func @transform_2(%arg0: i32) -> (i32, i32) {
    %c0_i32 = arith.constant 0 : i32
    %c0_i32_0 = arith.constant 0 : i32
    %c0_i32_1 = arith.constant 0 : i32
    return %c0_i32, %c0_i32_0 : i32, i32
  }
  func.func @transform_3(%arg0: i32) -> (i32, i32) {
    %c0_i32 = arith.constant 0 : i32
    %c0_i32_0 = arith.constant 0 : i32
    %c0_i32_1 = arith.constant 0 : i32
    return %c0_i32, %c0_i32_0 : i32, i32
  }
  func.func @transform_4(%arg0: i32) -> (i32, i32) {
    %c0_i32 = arith.constant 0 : i32
    %c0_i32_0 = arith.constant 0 : i32
    %c0_i32_1 = arith.constant 0 : i32
    return %c0_i32, %c0_i32_0 : i32, i32
  }
  func.func @transform_5(%arg0: i32) -> (i32, i32) {
    %c0_i32 = arith.constant 0 : i32
    %c0_i32_0 = arith.constant 0 : i32
    %c0_i32_1 = arith.constant 0 : i32
    return %c0_i32, %c0_i32_0 : i32, i32
  }
  func.func @transform_6(%arg0: i32) -> (i32, i32) {
    %c0_i32 = arith.constant 0 : i32
    %c0_i32_0 = arith.constant 0 : i32
    %c0_i32_1 = arith.constant 0 : i32
    return %c0_i32, %c0_i32_0 : i32, i32
  }
  func.func @transform_7(%arg0: i32) -> (i32, i32) {
    %c0_i32 = arith.constant 0 : i32
    %c0_i32_0 = arith.constant 0 : i32
    %c0_i32_1 = arith.constant 0 : i32
    return %c0_i32, %c0_i32_0 : i32, i32
  }
  func.func @transform_8(%arg0: i32) -> (i32, i32) {
    %c0_i32 = arith.constant 0 : i32
    %c0_i32_0 = arith.constant 0 : i32
    %c0_i32_1 = arith.constant 0 : i32
    return %c0_i32, %c0_i32_0 : i32, i32
  }
  func.func @transform_9(%arg0: i32) -> (i32, i32, i32) {
    %c0_i32 = arith.constant 0 : i32
    %c0_i32_0 = arith.constant 0 : i32
    %c0_i32_1 = arith.constant 0 : i32
    %c0_i32_2 = arith.constant 0 : i32
    return %c0_i32, %c0_i32_0, %c0_i32_1 : i32, i32, i32
  }
  func.func @transform_10(%arg0: i32) -> (i32, i32) {
    %c0_i32 = arith.constant 0 : i32
    %c0_i32_0 = arith.constant 0 : i32
    %c0_i32_1 = arith.constant 0 : i32
    return %c0_i32, %c0_i32_0 : i32, i32
  }
  func.func @transform_11(%arg0: i32) -> (i32, i32) {
    %c0_i32 = arith.constant 0 : i32
    %c0_i32_0 = arith.constant 0 : i32
    %c0_i32_1 = arith.constant 0 : i32
    return %c0_i32, %c0_i32_0 : i32, i32
  }
  func.func @transform_12(%arg0: i32) -> (i32, i32) {
    %c0_i32 = arith.constant 0 : i32
    %c0_i32_0 = arith.constant 0 : i32
    %c0_i32_1 = arith.constant 0 : i32
    return %c0_i32, %c0_i32_0 : i32, i32
  }
  func.func @transform_13(%arg0: i32) -> (i32, i32) {
    %c0_i32 = arith.constant 0 : i32
    %c0_i32_0 = arith.constant 0 : i32
    %c0_i32_1 = arith.constant 0 : i32
    return %c0_i32, %c0_i32_0 : i32, i32
  }
  func.func @transform_14(%arg0: i32) -> (i32, i32) {
    %c0_i32 = arith.constant 0 : i32
    %c0_i32_0 = arith.constant 0 : i32
    %c0_i32_1 = arith.constant 0 : i32
    return %c0_i32, %c0_i32_0 : i32, i32
  }
  func.func @transform_15(%arg0: i32) -> (i32, i32) {
    %c0_i32 = arith.constant 0 : i32
    %c0_i32_0 = arith.constant 0 : i32
    return %c0_i32, %arg0 : i32, i32
  }
}

</mosaic_0001>

<sc_bundles>
// kernel: kernel.4.cloned.1.call-start
scs
__scs_entry_jumppad:
0x0: {  	(pc) =	sbr.rel $0x88, $3  }
0x1: {  	(tag) =	ssettag $0x0;
	lr =	simm.s32 $0x1  }
0x2: {  	[smem:$0x3F92] =	sst lr;
	_ =	strace $0xD0000000  }
0x3: {  	_ = 	snop  }
0x4: {  	_ = 	snop  }
0x5: {  	_ = 	snop  }
0x6: {  	_ = 	snop  }
0x7: {  	_ = 	snop  }
__scs_overlays_trampoline_lowered:
0x8: {  	[smem:$0x3FA1] =	sst s0  }
0x9: {  	[smem:$0x3FA2] =	sst s1  }
0xa: {  	[smem:$0x3FA3] =	sst s2  }
0xb: {  	[smem:$0x3FA4] =	sst s3  }
0xc: {  	[smem:$0x3FA5] =	sst s4  }
0xd: {  	[smem:$0x3FA6] =	sst s5  }
0xe: {  	[smem:$0x3FA7] =	sst s6  }
0xf: {  	[smem:$0x3FA8] =	sst s7  }
0x10: {  	[smem:$0x3FA9] =	sst s8  }
0x11: {  	[smem:$0x3FAA] =	sst s9;
	s0 =	simm.s32 @!p0 $0x0  }
0x12: {  	s1 =	sld [smem:$0x3F90];
	s0 =	simm.s32 @p0 $0x1  }
0x13: {  	[smem:$0x3FAB] =	sst s0;
	s0 =	simm.s32 @!p1 $0x0  }
0x14: {  	s2 =	sld [smem:$0x3F8F];
	s0 =	simm.s32 @p1 $0x1  }
0x15: {  	[smem:$0x3FAC] =	sst s0;
	s0 =	simm.s32 @!p2 $0x0  }
0x16: {  	s3 =	sld [smem:$0x3FDB];
	s0 =	simm.s32 @p2 $0x1  }
0x17: {  	s4 =	simm.s32 $0x1BF5;
	[smem:$0x3FAE] =	sst s0  }
0x18: {  	s0 =	sld [smem:$0x3F91];
	_ =	swait.ge [sflag:s4], $0x0  }
0x19: {  	s7 =	sld [smem:$0x3F92]  }
0x1a: {  	s8 =	sadd.s32 $0xFFFFE003, lr  }
0x1b: {  	s9 =	sadd.s32 $0xFFFFFEF7, lr;
	s5 =	simm.s32 $0xFFFFFFFF;
	p2 =	slt.u32 s8, $0xFFFFF086  }
0x1c: {  	p1 =	slt.u32 s9, $0xF7A;
	s5 =	simm.s32 @!p2 $0x0  }
0x1d: {  	s5 =	simm.s32 @p1 $0x1;
	p0 =	seq.s32 s7, s2  }
0x1e: {  	s7 =	smul.u32 @!p0 $0xF7A, s2;
	p2 =	seq.s32 @!p0 s5, $0x0  }
0x1f: {  	s9 =	smul.u32 $0xF7A, s1;
	s8 =	simm.s32 @!p0 $0x1BF5;
	p2 =	por !p2, p0  }
0x20: {  	[sflag:s8] =	ssyncset.s32 @!p0 $0xFFFFF086;
	s6 =	sadd.s32 @!p0 s3, s7;
	s7 =	simm.s32 @!p0 $0x108  }
0x21: {  	s3 =	sadd.s32 s3, s9;
	s6 =	sadd.s32 @!p0 $0x88, s6;
	s7 =	simm.s32 @p2 $0x1082  }
0x22: {  	[simem:s7], [sflag:s8] =	dma.local @!p0 [hbm:s6], $0xF7A  }
0x23: {  	s9 =	sor.u32 $0xD0000000, s2;
	s6 =	simm.s32 $0x108;
	_ =	swait.ge @!p0 [sflag:s8], $0x0  }
0x24: {  	s3 =	sadd.s32 $0x88, s3;
	s6 =	simm.s32 @!p1 $0x1082;
	[sflag:s4] =	ssyncset.s32 $0xFFFFF086  }
0x25: {  	[simem:s6], [sflag:s4] =	dma.local [hbm:s3], $0xF7A  }
0x26: {  	[smem:$0x3F92] =	sst s1;
	(tag) =	ssettag s2;
	_ =	strace s9  }
0x27: {  	s1 =	sld [smem:$0x3FA2]  }
0x28: {  	s2 =	sld [smem:$0x3FA3]  }
0x29: {  	s4 =	sld [smem:$0x3FA5]  }
0x2a: {  	p0 =	seq.s32 s5, $0x0;
	s5 =	sld [smem:$0x3FA6]  }
0x2b: {  	s6 =	sld [smem:$0x3FA7]  }
0x2c: {  	s7 =	sld [smem:$0x3FA8]  }
0x2d: {  	s3 =	simm.s32 $0x108;
	s8 =	sld [smem:$0x3FA9]  }
0x2e: {  	s3 =	simm.s32 @!p0 $0x1082;
	s9 =	sld [smem:$0x3FAA]  }
0x2f: {  	lr =	sadd.s32 s0, s3;
	s0 =	sld [smem:$0x3FA1]  }
0x30: {  	s3 =	sld [smem:$0x3FA4]  }
0x31: {  	[smem:$0x3FAD] =	sst s10  }
0x32: {  	s10 =	sld [smem:$0x3FAB];
	_ =	sdelay $0x3  }
0x33: {  	p0 =	seq.s32 s10, $0x1;
	s10 =	sld [smem:$0x3FAD];
	_ =	sdelay $0x3  }
0x34: {  	[smem:$0x3FAD] =	sst s10  }
0x35: {  	s10 =	sld [smem:$0x3FAC];
	_ =	sdelay $0x3  }
0x36: {  	p1 =	seq.s32 s10, $0x1;
	s10 =	sld [smem:$0x3FAD];
	_ =	sdelay $0x3  }
0x37: {  	[smem:$0x3FAD] =	sst s10  }
0x38: {  	s10 =	sld [smem:$0x3FAE]  }
0x39: {  	_ = 	snop;
	(pc) =	sbr.ind lr, $3  }
0x3a: {  	_ = 	snop  }
0x3b: {  	_ = 	snop  }
0x3c: {  	p2 =	seq.s32 s10, $0x1;
	s10 =	sld [smem:$0x3FAD]  }
0x3d: {  	_ =	shalt  }
0x3e: {  	_ =	shalt  }
0x3f: {  	_ =	shalt  }
0x40: {  	_ =	shalt  }
0x41: {  	_ =	shalt  }
0x42: {  	_ =	shalt  }
0x43: {  	_ =	shalt  }
0x44: {  	_ =	shalt  }
0x45: {  	_ =	shalt  }
0x46: {  	_ =	shalt  }
0x47: {  	_ =	shalt  }
0x48: {  	_ =	shalt  }
0x49: {  	_ =	shalt  }
0x4a: {  	_ =	shalt  }
0x4b: {  	_ =	shalt  }
0x4c: {  	_ =	shalt  }
0x4d: {  	_ =	shalt  }
0x4e: {  	_ =	shalt  }
0x4f: {  	_ =	shalt  }
0x50: {  	_ =	shalt  }
0x51: {  	_ =	shalt  }
0x52: {  	_ =	shalt  }
0x53: {  	_ =	shalt  }
0x54: {  	_ =	shalt  }
0x55: {  	_ =	shalt  }
0x56: {  	_ =	shalt  }
0x57: {  	_ =	shalt  }
0x58: {  	_ =	shalt  }
0x59: {  	_ =	shalt  }
0x5a: {  	_ =	shalt  }
0x5b: {  	_ =	shalt  }
0x5c: {  	_ =	shalt  }
0x5d: {  	_ =	shalt  }
0x5e: {  	_ =	shalt  }
0x5f: {  	_ =	shalt  }
0x60: {  	_ =	shalt  }
0x61: {  	_ =	shalt  }
0x62: {  	_ =	shalt  }
0x63: {  	_ =	shalt  }
0x64: {  	_ =	shalt  }
0x65: {  	_ =	shalt  }
0x66: {  	_ =	shalt  }
0x67: {  	_ =	shalt  }
0x68: {  	_ =	shalt  }
0x69: {  	_ =	shalt  }
0x6a: {  	_ =	shalt  }
0x6b: {  	_ =	shalt  }
0x6c: {  	_ =	shalt  }
0x6d: {  	_ =	shalt  }
0x6e: {  	_ =	shalt  }
0x6f: {  	_ =	shalt  }
0x70: {  	_ =	shalt  }
0x71: {  	_ =	shalt  }
0x72: {  	_ =	shalt  }
0x73: {  	_ =	shalt  }
0x74: {  	_ =	shalt  }
0x75: {  	_ =	shalt  }
0x76: {  	_ =	shalt  }
0x77: {  	_ =	shalt  }
0x78: {  	_ =	shalt  }
0x79: {  	_ =	shalt  }
0x7a: {  	_ =	shalt  }
0x7b: {  	_ =	shalt  }
0x7c: {  	_ =	shalt  }
0x7d: {  	_ =	shalt  }
0x7e: {  	_ =	shalt  }
0x7f: {  	_ =	shalt  }
0x80: {  	_ =	shalt  }
0x81: {  	_ =	shalt  }
0x82: {  	_ =	shalt  }
0x83: {  	_ =	shalt  }
0x84: {  	_ =	shalt  }
0x85: {  	_ =	shalt  }
0x86: {  	_ =	shalt  }
0x87: {  	_ =	shalt  }
.Lfunc_end0:
.L_simem_size_0:
called_computation_lowered:
.L_overlay_start_0:
0x88: {  	s2 =	sld [smem:$0x3FD9]  }
0x89: {  	s3 =	sld [smem:$0x3FFE];
	_ =	sdelay $0x1  }
0x8a: {  	s1 =	srdreg.scid  }
0x8b: {  	s0 =	sand.u32 $0x1, s1  }
0x8c: {  	s16 =	sshll.u32 s0, $0xA;
	s2 =	sadd.s32 s3, s2  }
0x8d: {  	s2 =	sadd.s32 s2, s16  }
0x8e: {  	[smem:$0x3FB9] =	sst s2  }
0x8f: {  	_ = 	snop  }
0x90: {  	(tm) =	ssettm $0x1  }
0x91: {  	s17 =	sld [smem:$0x3FFB];
	_ =	sdelay $0x3  }
0x92: {  	_ =	strace s17  }
0x93: {  	s2 =	sld [smem:$0x3FFC];
	_ =	sdelay $0x3  }
0x94: {  	_ =	strace s2  }
0x95: {  	s2 =	sld [smem:$0x3FFD];
	_ =	sdelay $0x3  }
0x96: {  	_ =	strace s2  }
0x97: {  	_ =	strace $0x8FFFFFFF  }
0x98: {  	s18 =	sld [smem:$0x3FDB];
	_ =	sdelay $0x1  }
0x99: {  	s19 =	simm.s32 $_scs_section_size  }
0x9a: {  	s4 =	simm.s32 $_size__tile_overlayer_lowered;
	s5 =	simm.s32 $_tile_overlayer_lowered  }
0x9b: {  	s22 =	simm.s32 $0x1BFF;
	s21 =	sshll.u32 s5, $0x1;
	s2 =	sadd.s32 s19, s18  }
0x9c: {  	s6 =	simm.s32 $0x0;
	s20 =	sshll.u32 s4, $0x1;
	s4 =	sadd.s32 s21, s2  }
0x9d: {  	[timem:s6], [sflag:s22] =	dma.local [hbm:s4], s20  }
0x9e: {  	_ =	swait.ge [sflag:s22], s20  }
0x9f: {  	s3 =	ssub.s32 $0x0, s20;
	[sflag:s22] =	ssyncset.done $0x0  }
0xa0: {  	[sflag:s22] =	ssyncadd.s32 s3;
	_ =	sdelay $0x1  }
0xa1: {  	s23 =	simm.s32 $0x1B8B  }
0xa2: {  	_ =	swait.ge [sflag:s23], $0x1  }
0xa3: {  	[sflag:s23] =	ssyncset.done $0x0  }
0xa4: {  	s25 =	simm.s32 $0x1B8E;
	s24 =	sld [smem:$0x3FFE];
	[sflag:s23] =	ssyncadd.s32 $0xFFFFFFFF  }
0xa5: {  	s26 =	simm.s32 $execute0_lowered;
	[smem:$0x3FD2] =	sst s25  }
0xa6: {  	s4 =	sshll.u32 s26, $0x1;
	_ =	strace $0x80000046;
	[dreg:$0x1] =	wrdreg $0xFFFFFFFF  }
0xa7: {  	s28 =	simm.s32 $_size_execute0_lowered;
	s2 =	sadd.s32 s2, s4;
	[dreg:$0x0] =	wrdreg $0x0  }
0xa8: {  	s4 =	sshll.u32 s28, $0x1;
	[dreg:$0x2] =	wrdreg s2  }
0xa9: {  	[dreg:$0x3] =	wrdreg s4  }
0xaa: {  	[dreg:$0x4] =	wrdreg $0xC0  }
0xab: {  	_ =	task [dreg:s6], $0x5FFFF  }
0xac: {  	[dreg:$0x1] =	wrdreg $0xFFFFFFFF  }
0xad: {  	[dreg:$0x0] =	wrdreg $0x60  }
0xae: {  	[dreg:$0x2] =	wrdreg s24  }
0xaf: {  	[dreg:$0x3] =	wrdreg $0x9  }
0xb0: {  	_ =	task.clear_ibuf [dreg:s6], $0x4FFFF;
	_ =	strace $0x90000046  }
0xb1: {  	s29 =	simm.s32 $0x9;
	_ =	strace $0x80000048  }
0xb2: {  	_ =	swait.ge [sflag:s29], $0x1  }
0xb3: {  	[sflag:s29] =	ssyncadd.s32 $0xFFFFFFFF  }
0xb4: {  	_ =	strace $0x90000048  }
0xb5: {  	_ =	sfence  }
0xb6: {  	s30 =	sld [smem:$0x0];
	_ =	sdelay $0x2  }
0xb7: {  	s31 =	sshll.u32 s1, $0xD;
	s1 =	sshrl.u32 s1, $0x2  }
0xb8: {  	s3 =	sand.u32 $0x4000, s31;
	s1 =	sadd.s32 s1, s30  }
0xb9: {  	s0 =	sor.u32 s3, s0;
	s1 =	sshll.u32 s1, $0x11  }
0xba: {  	s0 =	sor.u32 s1, s0  }
0xbb: {  	s0 =	sadd.s32 $0x8F2B, s0  }
0xbc: {  	[sflag:s0] =	ssyncadd.remote.s32 $0x1  }
0xbd: {  	_ =	sfence.sel $0xFFFF  }
0xbe: {  	[dreg:$0x0] =	wrdreg $0xFFFFFFFF;
	(pc) =	sbr.abs _section_cstart, $3  }
0xbf: {  	[dreg:$0x1] =	wrdreg $0xFFFFFFFF  }
0xc0: {  	_ =	task.clear_ibuf [dreg:s6], $0x2FFFF;
	_ =	strace $0x9FFFFFFF  }
0xc1: {  	(tm) =	ssettm $0x7FFFFFFF  }
tec
execute0_lowered:
.L_overlay_start_1:
0x0: {  	(tag) =	ssettag $0x1  }
0x1: {  	s0 =	srdreg.scid;
	s1 =	stileid.u32  }
0x2: {  	s3 =	sand.u32 $0x1, s0;
	s9 =	sshll.u32 s1, $0x1  }
0x3: {  	s0 =	sor.u32 s3, s9  }
0x4: {  	s4 =	smul.u32 $0x1A0, s0  }
0x5: {  	s2 =	simm.s32 $0x0;
	s1 =	rddreg [dreg:$0x0];
	s5 =	smul.u32 $0x6800, s0  }
0x6: {  	[smem:$0x7FF] =	sst s2;
	s0 =	smul.u32 $0x34000, s0  }
0x7: {  	_ =	strace $0x80000047;
	s6 =	sadd.s32 $0x5400, s1;
	s4 =	sadd.s32 s4, s1  }
0x8: {  	s26 =	sadd.s32 s6, s5;
	s0 =	sshrl.u32 s0, $0x3;
	s4 =	sadd.s32 $0x2000, s4  }
0x9: {  	s10 =	sadd.s32 $0x400, s26;
	s0 =	sadd.s32 s6, s0;
	[dreg:$0x2] =	wrdreg s4  }
0xa: {  	[dreg:$0x3] =	wrdreg s10;
	s11 =	sadd.s32 $0x800, s0  }
0xb: {  	s12 =	sadd.s32 $0xC00, s0;
	[dreg:$0x4] =	wrdreg s11  }
0xc: {  	s13 =	sadd.s32 $0x1000, s0;
	[dreg:$0x5] =	wrdreg s12  }
0xd: {  	s14 =	sadd.s32 $0x1400, s0;
	[dreg:$0x6] =	wrdreg s13  }
0xe: {  	s15 =	sadd.s32 $0x1800, s0;
	[dreg:$0x7] =	wrdreg s14  }
0xf: {  	s16 =	sadd.s32 $0x1C00, s0;
	[dreg:$0x8] =	wrdreg s15  }
0x10: {  	s17 =	sadd.s32 $0x2000, s0;
	[dreg:$0x9] =	wrdreg s16  }
0x11: {  	s18 =	sadd.s32 $0x2400, s0;
	[dreg:$0xa] =	wrdreg s17  }
0x12: {  	s19 =	sadd.s32 $0x2800, s0;
	[dreg:$0xb] =	wrdreg s18  }
0x13: {  	s20 =	sadd.s32 $0x2C00, s0;
	[dreg:$0xc] =	wrdreg s19  }
0x14: {  	s21 =	sadd.s32 $0x3000, s0;
	[dreg:$0xd] =	wrdreg s20  }
0x15: {  	s22 =	sadd.s32 $0x3400, s0;
	[dreg:$0xe] =	wrdreg s21  }
0x16: {  	s23 =	sadd.s32 $0x3800, s0;
	[dreg:$0xf] =	wrdreg s22  }
0x17: {  	s24 =	sadd.s32 $0x3C00, s0;
	[dreg:$0x10] =	wrdreg s23  }
0x18: {  	s25 =	sadd.s32 $0x4000, s0;
	[dreg:$0x11] =	wrdreg s24  }
0x19: {  	s31 =	simm.s32 $0x300;
	s5 =	sadd.s32 $0x4400, s0;
	[dreg:$0x12] =	wrdreg s25  }
0x1a: {  	s30 =	simm.s32 $0x380;
	s6 =	sadd.s32 $0x4800, s0;
	[dreg:$0x13] =	wrdreg s5  }
0x1b: {  	s29 =	simm.s32 $0x400;
	s7 =	sadd.s32 $0x4C00, s0;
	[dreg:$0x14] =	wrdreg s6  }
0x1c: {  	s28 =	simm.s32 $0x480;
	s8 =	sadd.s32 $0x5000, s0;
	[dreg:$0x15] =	wrdreg s7  }
0x1d: {  	p0 =	por $0x0, $0x0;
	s9 =	sadd.s32 $0x5400, s0;
	[dreg:$0x16] =	wrdreg s8  }
0x1e: {  	s3 =	ssub.s32 $0x2, s3;
	s10 =	sadd.s32 $0x5800, s0;
	[dreg:$0x17] =	wrdreg s9  }
0x1f: {  	s4 =	simm.s32 $0x2D00;
	[dreg:$0x18] =	wrdreg s10;
	s11 =	sadd.s32 $0x5C00, s0  }
0x20: {  	s12 =	sadd.s32 $0x6000, s0;
	s13 =	sshrl.u32 s3, $0x1;
	s0 =	sadd.s32 $0x6400, s0  }
0x21: {  	s5 =	sadd.s32 $0xF44400, s1;
	s22 =	simm.s32 $0x100;
	s8 =	simm.s32 $0x80  }
0x22: {  	s23 =	simm.s32 $0x180;
	s6 =	simm.s32 $0xD00;
	s24 =	simm.s32 $0x200  }
0x23: {  	s25 =	simm.s32 $0x280;
	s9 =	simm.s32 $0x1;
	s7 =	simm.s32 $0x2  }
0x24: {  	s21 =	simm.s32 $0x700;
	s20 =	simm.s32 $0x780;
	[dreg:$0x19] =	wrdreg s11  }
0x25: {  	s19 =	simm.s32 $0x800;
	s18 =	simm.s32 $0x880;
	[dreg:$0x1a] =	wrdreg s12  }
0x26: {  	s17 =	simm.s32 $0x900;
	s14 =	ssub.s32 s3, s13;
	[dreg:$0x1b] =	wrdreg s0  }
0x27: {  	s16 =	simm.s32 $0x980;
	[dreg:$0x1c] =	wrdreg s22;
	s15 =	smax.u32 s14, $0x1  }
0x28: {  	s10 =	simm.s32 $0xC80;
	[dreg:$0x1d] =	wrdreg s23;
	p1 =	sne.s32 s15, $0x1  }
.Ltmp0:
0x29: {  	s3 =	simm.s32 $0x3;
	[dreg:$0x1e] =	wrdreg s24;
	(pc) =	sbr.rel @!p1 .LBB2_3-.Ltmp0, $4  }
0x2a: {  	[dreg:$0x1f] =	wrdreg s25;
	s25 =	simm.s32 $0x500;
	s24 =	simm.s32 $0x580  }
0x2b: {  	s23 =	simm.s32 $0x600;
	s22 =	simm.s32 $0x680;
	s13 =	simm.s32 $0xB00  }
0x2c: {  	s12 =	simm.s32 $0xB80;
	s11 =	simm.s32 $0xC00;
	s0 =	rddreg [dreg:$0x2]  }
0x2d: {  	s14 =	simm.s32 $0xA80;
	s1 =	sadd.s32 $0xFFFFFFFF, s15;
	s15 =	simm.s32 $0xA00  }
0x2e: {  	[tilespmem:s2], [sflag:$0x3] =	stream.linear.gather [hbm4b:s0+s2], $0xD00, $0x38;
	[tilespmem:$0x4D00] =	vst v63  }
0x2f: {  	_ =	swait.ge [sflag:s3], $0xD00  }
0x30: {  	[sflag:s3] =	ssyncset.done $0x0  }
0x31: {  	[sflag:s3] =	ssyncadd.s32 $0xFFFFF300  }
0x32: {  	[tilespmem:s6], [sflag:$0x1] =	stream.indirect.gather [hbm4b:s5+s8], $0x40, s2, s8, $0xb8;
	[tilespmem:$0x4D00] =	vst v63  }
0x33: {  	_ = 	snop  }
0x34: {  	[tilespmem:s4], [sflag:$0x2] =	stream.indirect.gather [hbm4b:s5+s8], $0x40, s8, s8, $0xb8;
	[tilespmem:$0x4D00] =	vst v63  }
0x35: {  	_ =	swait.ge [sflag:s9], $0x2000  }
0x36: {  	[sflag:s9] =	ssyncset.done $0x0  }
0x37: {  	[sflag:s9] =	ssyncadd.s32 $0xFFFFE000  }
0x38: {  	[hbm4b:s26+s2] =	stream.linear.scatter [tilespmem:s6], [sflag:$0x3], $0x2000, $0x38;
	[tilespmem:$0x4D00] =	vst v63  }
0x39: {  	_ =	swait.ge [sflag:s3], $0x2000  }
0x3a: {  	[sflag:s3] =	ssyncset.done $0x0  }
0x3b: {  	s0 =	rddreg [dreg:$0x1c];
	[sflag:s3] =	ssyncadd.s32 $0xFFFFE000  }
0x3c: {  	[tilespmem:s6], [sflag:$0x1] =	stream.indirect.gather [hbm4b:s5+s8], $0x40, s0, s8, $0xb8;
	[tilespmem:$0x4D00] =	vst v63  }
0x3d: {  	_ =	swait.ge [sflag:s7], $0x2000  }
0x3e: {  	[sflag:s7] =	ssyncset.done $0x0  }
0x3f: {  	s0 =	rddreg [dreg:$0x3];
	[sflag:s7] =	ssyncadd.s32 $0xFFFFE000  }
0x40: {  	[hbm4b:s0+s2] =	stream.linear.scatter [tilespmem:s4], [sflag:$0x3], $0x2000, $0x38;
	[tilespmem:$0x4D00] =	vst v63  }
0x41: {  	_ =	swait.ge [sflag:s3], $0x2000  }
0x42: {  	[sflag:s3] =	ssyncset.done $0x0  }
0x43: {  	s0 =	rddreg [dreg:$0x1d];
	[sflag:s3] =	ssyncadd.s32 $0xFFFFE000  }
0x44: {  	[tilespmem:s4], [sflag:$0x2] =	stream.indirect.gather [hbm4b:s5+s8], $0x40, s0, s8, $0xb8;
	[tilespmem:$0x4D00] =	vst v63  }
0x45: {  	_ =	swait.ge [sflag:s9], $0x2000  }
0x46: {  	[sflag:s9] =	ssyncset.done $0x0  }
0x47: {  	s0 =	rddreg [dreg:$0x4];
	[sflag:s9] =	ssyncadd.s32 $0xFFFFE000  }
0x48: {  	[hbm4b:s0+s2] =	stream.linear.scatter [tilespmem:s6], [sflag:$0x3], $0x2000, $0x38;
	[tilespmem:$0x4D00] =	vst v63  }
0x49: {  	_ =	swait.ge [sflag:s3], $0x2000  }
0x4a: {  	[sflag:s3] =	ssyncset.done $0x0  }
0x4b: {  	s0 =	rddreg [dreg:$0x1e];
	[sflag:s3] =	ssyncadd.s32 $0xFFFFE000  }
0x4c: {  	[tilespmem:s6], [sflag:$0x1] =	stream.indirect.gather [hbm4b:s5+s8], $0x40, s0, s8, $0xb8;
	[tilespmem:$0x4D00] =	vst v63  }
0x4d: {  	_ =	swait.ge [sflag:s7], $0x2000  }
0x4e: {  	[sflag:s7] =	ssyncset.done $0x0  }
0x4f: {  	s0 =	rddreg [dreg:$0x5];
	[sflag:s7] =	ssyncadd.s32 $0xFFFFE000  }
0x50: {  	[hbm4b:s0+s2] =	stream.linear.scatter [tilespmem:s4], [sflag:$0x3], $0x2000, $0x38;
	[tilespmem:$0x4D00] =	vst v63  }
0x51: {  	_ =	swait.ge [sflag:s3], $0x2000  }
0x52: {  	[sflag:s3] =	ssyncset.done $0x0  }
0x53: {  	s0 =	rddreg [dreg:$0x1f];
	[sflag:s3] =	ssyncadd.s32 $0xFFFFE000  }
0x54: {  	[tilespmem:s4], [sflag:$0x2] =	stream.indirect.gather [hbm4b:s5+s8], $0x40, s0, s8, $0xb8;
	[tilespmem:$0x4D00] =	vst v63  }
0x55: {  	_ =	swait.ge [sflag:s9], $0x2000  }
0x56: {  	[sflag:s9] =	ssyncset.done $0x0  }
0x57: {  	s0 =	rddreg [dreg:$0x6];
	[sflag:s9] =	ssyncadd.s32 $0xFFFFE000  }
0x58: {  	[hbm4b:s0+s2] =	stream.linear.scatter [tilespmem:s6], [sflag:$0x3], $0x2000, $0x38;
	[tilespmem:$0x4D00] =	vst v63  }
0x59: {  	_ =	swait.ge [sflag:s3], $0x2000  }
0x5a: {  	[sflag:s3] =	ssyncset.done $0x0  }
0x5b: {  	[sflag:s3] =	ssyncadd.s32 $0xFFFFE000  }
0x5c: {  	[tilespmem:s6], [sflag:$0x1] =	stream.indirect.gather [hbm4b:s5+s8], $0x40, s31, s8, $0xb8;
	[tilespmem:$0x4D00] =	vst v63  }
0x5d: {  	_ =	swait.ge [sflag:s7], $0x2000  }
0x5e: {  	[sflag:s7] =	ssyncset.done $0x0  }
0x5f: {  	s0 =	rddreg [dreg:$0x7];
	[sflag:s7] =	ssyncadd.s32 $0xFFFFE000  }
0x60: {  	[hbm4b:s0+s2] =	stream.linear.scatter [tilespmem:s4], [sflag:$0x3], $0x2000, $0x38;
	[tilespmem:$0x4D00] =	vst v63  }
0x61: {  	_ =	swait.ge [sflag:s3], $0x2000  }
0x62: {  	[sflag:s3] =	ssyncset.done $0x0  }
0x63: {  	[sflag:s3] =	ssyncadd.s32 $0xFFFFE000  }
0x64: {  	[tilespmem:s4], [sflag:$0x2] =	stream.indirect.gather [hbm4b:s5+s8], $0x40, s30, s8, $0xb8;
	[tilespmem:$0x4D00] =	vst v63  }
0x65: {  	_ =	swait.ge [sflag:s9], $0x2000  }
0x66: {  	[sflag:s9] =	ssyncset.done $0x0  }
0x67: {  	s0 =	rddreg [dreg:$0x8];
	[sflag:s9] =	ssyncadd.s32 $0xFFFFE000  }
0x68: {  	[hbm4b:s0+s2] =	stream.linear.scatter [tilespmem:s6], [sflag:$0x3], $0x2000, $0x38;
	[tilespmem:$0x4D00] =	vst v63  }
0x69: {  	_ =	swait.ge [sflag:s3], $0x2000  }
0x6a: {  	[sflag:s3] =	ssyncset.done $0x0  }
0x6b: {  	[sflag:s3] =	ssyncadd.s32 $0xFFFFE000  }
0x6c: {  	[tilespmem:s6], [sflag:$0x1] =	stream.indirect.gather [hbm4b:s5+s8], $0x40, s29, s8, $0xb8;
	[tilespmem:$0x4D00] =	vst v63  }
0x6d: {  	_ =	swait.ge [sflag:s7], $0x2000  }
0x6e: {  	[sflag:s7] =	ssyncset.done $0x0  }
0x6f: {  	s0 =	rddreg [dreg:$0x9];
	[sflag:s7] =	ssyncadd.s32 $0xFFFFE000  }
0x70: {  	[hbm4b:s0+s2] =	stream.linear.scatter [tilespmem:s4], [sflag:$0x3], $0x2000, $0x38;
	[tilespmem:$0x4D00] =	vst v63  }
0x71: {  	_ =	swait.ge [sflag:s3], $0x2000  }
0x72: {  	[sflag:s3] =	ssyncset.done $0x0  }
0x73: {  	[sflag:s3] =	ssyncadd.s32 $0xFFFFE000  }
0x74: {  	[tilespmem:s4], [sflag:$0x2] =	stream.indirect.gather [hbm4b:s5+s8], $0x40, s28, s8, $0xb8;
	[tilespmem:$0x4D00] =	vst v63  }
0x75: {  	_ =	swait.ge [sflag:s9], $0x2000  }
0x76: {  	[sflag:s9] =	ssyncset.done $0x0  }
0x77: {  	s0 =	rddreg [dreg:$0xa];
	[sflag:s9] =	ssyncadd.s32 $0xFFFFE000  }
0x78: {  	[hbm4b:s0+s2] =	stream.linear.scatter [tilespmem:s6], [sflag:$0x3], $0x2000, $0x38;
	[tilespmem:$0x4D00] =	vst v63  }
0x79: {  	_ =	swait.ge [sflag:s3], $0x2000  }
0x7a: {  	[sflag:s3] =	ssyncset.done $0x0  }
0x7b: {  	[sflag:s3] =	ssyncadd.s32 $0xFFFFE000  }
0x7c: {  	[tilespmem:s6], [sflag:$0x1] =	stream.indirect.gather [hbm4b:s5+s8], $0x40, s25, s8, $0xb8;
	[tilespmem:$0x4D00] =	vst v63  }
0x7d: {  	_ =	swait.ge [sflag:s7], $0x2000  }
0x7e: {  	[sflag:s7] =	ssyncset.done $0x0  }
0x7f: {  	s0 =	rddreg [dreg:$0xb];
	[sflag:s7] =	ssyncadd.s32 $0xFFFFE000  }
0x80: {  	[hbm4b:s0+s2] =	stream.linear.scatter [tilespmem:s4], [sflag:$0x3], $0x2000, $0x38;
	[tilespmem:$0x4D00] =	vst v63  }
0x81: {  	_ =	swait.ge [sflag:s3], $0x2000  }
0x82: {  	[sflag:s3] =	ssyncset.done $0x0  }
0x83: {  	[sflag:s3] =	ssyncadd.s32 $0xFFFFE000  }
0x84: {  	[tilespmem:s4], [sflag:$0x2] =	stream.indirect.gather [hbm4b:s5+s8], $0x40, s24, s8, $0xb8;
	[tilespmem:$0x4D00] =	vst v63  }
0x85: {  	_ =	swait.ge [sflag:s9], $0x2000  }
0x86: {  	[sflag:s9] =	ssyncset.done $0x0  }
0x87: {  	s0 =	rddreg [dreg:$0xc];
	[sflag:s9] =	ssyncadd.s32 $0xFFFFE000  }
0x88: {  	[hbm4b:s0+s2] =	stream.linear.scatter [tilespmem:s6], [sflag:$0x3], $0x2000, $0x38;
	[tilespmem:$0x4D00] =	vst v63  }
0x89: {  	_ =	swait.ge [sflag:s3], $0x2000  }
0x8a: {  	[sflag:s3] =	ssyncset.done $0x0  }
0x8b: {  	[sflag:s3] =	ssyncadd.s32 $0xFFFFE000  }
0x8c: {  	[tilespmem:s6], [sflag:$0x1] =	stream.indirect.gather [hbm4b:s5+s8], $0x40, s23, s8, $0xb8;
	[tilespmem:$0x4D00] =	vst v63  }
0x8d: {  	_ =	swait.ge [sflag:s7], $0x2000  }
0x8e: {  	[sflag:s7] =	ssyncset.done $0x0  }
0x8f: {  	s0 =	rddreg [dreg:$0xd];
	[sflag:s7] =	ssyncadd.s32 $0xFFFFE000  }
0x90: {  	[hbm4b:s0+s2] =	stream.linear.scatter [tilespmem:s4], [sflag:$0x3], $0x2000, $0x38;
	[tilespmem:$0x4D00] =	vst v63  }
0x91: {  	_ =	swait.ge [sflag:s3], $0x2000  }
0x92: {  	[sflag:s3] =	ssyncset.done $0x0  }
0x93: {  	[sflag:s3] =	ssyncadd.s32 $0xFFFFE000  }
0x94: {  	[tilespmem:s4], [sflag:$0x2] =	stream.indirect.gather [hbm4b:s5+s8], $0x40, s22, s8, $0xb8;
	[tilespmem:$0x4D00] =	vst v63  }
0x95: {  	_ =	swait.ge [sflag:s9], $0x2000  }
0x96: {  	[sflag:s9] =	ssyncset.done $0x0  }
0x97: {  	s0 =	rddreg [dreg:$0xe];
	[sflag:s9] =	ssyncadd.s32 $0xFFFFE000  }
0x98: {  	[hbm4b:s0+s2] =	stream.linear.scatter [tilespmem:s6], [sflag:$0x3], $0x2000, $0x38;
	[tilespmem:$0x4D00] =	vst v63  }
0x99: {  	_ =	swait.ge [sflag:s3], $0x2000  }
0x9a: {  	[sflag:s3] =	ssyncset.done $0x0  }
0x9b: {  	[sflag:s3] =	ssyncadd.s32 $0xFFFFE000  }
0x9c: {  	[tilespmem:s6], [sflag:$0x1] =	stream.indirect.gather [hbm4b:s5+s8], $0x40, s21, s8, $0xb8;
	[tilespmem:$0x4D00] =	vst v63  }
0x9d: {  	_ =	swait.ge [sflag:s7], $0x2000  }
0x9e: {  	[sflag:s7] =	ssyncset.done $0x0  }
0x9f: {  	s0 =	rddreg [dreg:$0xf];
	[sflag:s7] =	ssyncadd.s32 $0xFFFFE000  }
0xa0: {  	[hbm4b:s0+s2] =	stream.linear.scatter [tilespmem:s4], [sflag:$0x3], $0x2000, $0x38;
	[tilespmem:$0x4D00] =	vst v63  }
0xa1: {  	_ =	swait.ge [sflag:s3], $0x2000  }
0xa2: {  	[sflag:s3] =	ssyncset.done $0x0  }
0xa3: {  	[sflag:s3] =	ssyncadd.s32 $0xFFFFE000  }
0xa4: {  	[tilespmem:s4], [sflag:$0x2] =	stream.indirect.gather [hbm4b:s5+s8], $0x40, s20, s8, $0xb8;
	[tilespmem:$0x4D00] =	vst v63  }
0xa5: {  	_ =	swait.ge [sflag:s9], $0x2000  }
0xa6: {  	[sflag:s9] =	ssyncset.done $0x0  }
0xa7: {  	s0 =	rddreg [dreg:$0x10];
	[sflag:s9] =	ssyncadd.s32 $0xFFFFE000  }
0xa8: {  	[hbm4b:s0+s2] =	stream.linear.scatter [tilespmem:s6], [sflag:$0x3], $0x2000, $0x38;
	[tilespmem:$0x4D00] =	vst v63  }
0xa9: {  	_ =	swait.ge [sflag:s3], $0x2000  }
0xaa: {  	[sflag:s3] =	ssyncset.done $0x0  }
0xab: {  	[sflag:s3] =	ssyncadd.s32 $0xFFFFE000  }
0xac: {  	[tilespmem:s6], [sflag:$0x1] =	stream.indirect.gather [hbm4b:s5+s8], $0x40, s19, s8, $0xb8;
	[tilespmem:$0x4D00] =	vst v63  }
0xad: {  	_ =	swait.ge [sflag:s7], $0x2000  }
0xae: {  	[sflag:s7] =	ssyncset.done $0x0  }
0xaf: {  	s0 =	rddreg [dreg:$0x11];
	[sflag:s7] =	ssyncadd.s32 $0xFFFFE000  }
0xb0: {  	[hbm4b:s0+s2] =	stream.linear.scatter [tilespmem:s4], [sflag:$0x3], $0x2000, $0x38;
	[tilespmem:$0x4D00] =	vst v63  }
0xb1: {  	_ =	swait.ge [sflag:s3], $0x2000  }
0xb2: {  	[sflag:s3] =	ssyncset.done $0x0  }
0xb3: {  	[sflag:s3] =	ssyncadd.s32 $0xFFFFE000  }
0xb4: {  	[tilespmem:s4], [sflag:$0x2] =	stream.indirect.gather [hbm4b:s5+s8], $0x40, s18, s8, $0xb8;
	[tilespmem:$0x4D00] =	vst v63  }
0xb5: {  	_ =	swait.ge [sflag:s9], $0x2000  }
0xb6: {  	[sflag:s9] =	ssyncset.done $0x0  }
0xb7: {  	s0 =	rddreg [dreg:$0x12];
	[sflag:s9] =	ssyncadd.s32 $0xFFFFE000  }
0xb8: {  	[hbm4b:s0+s2] =	stream.linear.scatter [tilespmem:s6], [sflag:$0x3], $0x2000, $0x38;
	[tilespmem:$0x4D00] =	vst v63  }
0xb9: {  	_ =	swait.ge [sflag:s3], $0x2000  }
0xba: {  	[sflag:s3] =	ssyncset.done $0x0  }
0xbb: {  	[sflag:s3] =	ssyncadd.s32 $0xFFFFE000  }
0xbc: {  	[tilespmem:s6], [sflag:$0x1] =	stream.indirect.gather [hbm4b:s5+s8], $0x40, s17, s8, $0xb8;
	[tilespmem:$0x4D00] =	vst v63  }
0xbd: {  	_ =	swait.ge [sflag:s7], $0x2000  }
0xbe: {  	[sflag:s7] =	ssyncset.done $0x0  }
0xbf: {  	s0 =	rddreg [dreg:$0x13];
	[sflag:s7] =	ssyncadd.s32 $0xFFFFE000  }
0xc0: {  	[hbm4b:s0+s2] =	stream.linear.scatter [tilespmem:s4], [sflag:$0x3], $0x2000, $0x38;
	[tilespmem:$0x4D00] =	vst v63  }
0xc1: {  	_ =	swait.ge [sflag:s3], $0x2000  }
0xc2: {  	[sflag:s3] =	ssyncset.done $0x0  }
0xc3: {  	[sflag:s3] =	ssyncadd.s32 $0xFFFFE000  }
0xc4: {  	[tilespmem:s4], [sflag:$0x2] =	stream.indirect.gather [hbm4b:s5+s8], $0x40, s16, s8, $0xb8;
	[tilespmem:$0x4D00] =	vst v63  }
0xc5: {  	_ =	swait.ge [sflag:s9], $0x2000  }
0xc6: {  	[sflag:s9] =	ssyncset.done $0x0  }
0xc7: {  	s0 =	rddreg [dreg:$0x14];
	[sflag:s9] =	ssyncadd.s32 $0xFFFFE000  }
0xc8: {  	[hbm4b:s0+s2] =	stream.linear.scatter [tilespmem:s6], [sflag:$0x3], $0x2000, $0x38;
	[tilespmem:$0x4D00] =	vst v63  }
0xc9: {  	_ =	swait.ge [sflag:s3], $0x2000  }
0xca: {  	[sflag:s3] =	ssyncset.done $0x0  }
0xcb: {  	[sflag:s3] =	ssyncadd.s32 $0xFFFFE000  }
0xcc: {  	[tilespmem:s6], [sflag:$0x1] =	stream.indirect.gather [hbm4b:s5+s8], $0x40, s15, s8, $0xb8;
	[tilespmem:$0x4D00] =	vst v63  }
0xcd: {  	_ =	swait.ge [sflag:s7], $0x2000  }
0xce: {  	[sflag:s7] =	ssyncset.done $0x0  }
0xcf: {  	s0 =	rddreg [dreg:$0x15];
	[sflag:s7] =	ssyncadd.s32 $0xFFFFE000  }
0xd0: {  	[hbm4b:s0+s2] =	stream.linear.scatter [tilespmem:s4], [sflag:$0x3], $0x2000, $0x38;
	[tilespmem:$0x4D00] =	vst v63  }
0xd1: {  	_ =	swait.ge [sflag:s3], $0x2000  }
0xd2: {  	[sflag:s3] =	ssyncset.done $0x0  }
0xd3: {  	[sflag:s3] =	ssyncadd.s32 $0xFFFFE000  }
0xd4: {  	[tilespmem:s4], [sflag:$0x2] =	stream.indirect.gather [hbm4b:s5+s8], $0x40, s14, s8, $0xb8;
	[tilespmem:$0x4D00] =	vst v63  }
0xd5: {  	_ =	swait.ge [sflag:s9], $0x2000  }
0xd6: {  	[sflag:s9] =	ssyncset.done $0x0  }
0xd7: {  	s0 =	rddreg [dreg:$0x16];
	[sflag:s9] =	ssyncadd.s32 $0xFFFFE000  }
0xd8: {  	[hbm4b:s0+s2] =	stream.linear.scatter [tilespmem:s6], [sflag:$0x3], $0x2000, $0x38;
	[tilespmem:$0x4D00] =	vst v63  }
0xd9: {  	_ =	swait.ge [sflag:s3], $0x2000  }
0xda: {  	[sflag:s3] =	ssyncset.done $0x0  }
0xdb: {  	[sflag:s3] =	ssyncadd.s32 $0xFFFFE000  }
0xdc: {  	[tilespmem:s6], [sflag:$0x1] =	stream.indirect.gather [hbm4b:s5+s8], $0x40, s13, s8, $0xb8;
	[tilespmem:$0x4D00] =	vst v63  }
0xdd: {  	_ =	swait.ge [sflag:s7], $0x2000  }
0xde: {  	[sflag:s7] =	ssyncset.done $0x0  }
0xdf: {  	s0 =	rddreg [dreg:$0x17];
	[sflag:s7] =	ssyncadd.s32 $0xFFFFE000  }
0xe0: {  	[hbm4b:s0+s2] =	stream.linear.scatter [tilespmem:s4], [sflag:$0x3], $0x2000, $0x38;
	[tilespmem:$0x4D00] =	vst v63  }
0xe1: {  	_ =	swait.ge [sflag:s3], $0x2000  }
0xe2: {  	[sflag:s3] =	ssyncset.done $0x0  }
0xe3: {  	[sflag:s3] =	ssyncadd.s32 $0xFFFFE000  }
0xe4: {  	[tilespmem:s4], [sflag:$0x2] =	stream.indirect.gather [hbm4b:s5+s8], $0x40, s12, s8, $0xb8;
	[tilespmem:$0x4D00] =	vst v63  }
0xe5: {  	_ =	swait.ge [sflag:s9], $0x2000  }
0xe6: {  	[sflag:s9] =	ssyncset.done $0x0  }
0xe7: {  	s0 =	rddreg [dreg:$0x18];
	[sflag:s9] =	ssyncadd.s32 $0xFFFFE000  }
0xe8: {  	[hbm4b:s0+s2] =	stream.linear.scatter [tilespmem:s6], [sflag:$0x3], $0x2000, $0x38;
	[tilespmem:$0x4D00] =	vst v63  }
0xe9: {  	_ =	swait.ge [sflag:s3], $0x2000  }
0xea: {  	[sflag:s3] =	ssyncset.done $0x0  }
0xeb: {  	[sflag:s3] =	ssyncadd.s32 $0xFFFFE000  }
0xec: {  	[tilespmem:s6], [sflag:$0x1] =	stream.indirect.gather [hbm4b:s5+s8], $0x40, s11, s8, $0xb8;
	[tilespmem:$0x4D00] =	vst v63  }
0xed: {  	_ =	swait.ge [sflag:s7], $0x2000  }
0xee: {  	[sflag:s7] =	ssyncset.done $0x0  }
0xef: {  	s0 =	rddreg [dreg:$0x19];
	[sflag:s7] =	ssyncadd.s32 $0xFFFFE000  }
0xf0: {  	[hbm4b:s0+s2] =	stream.linear.scatter [tilespmem:s4], [sflag:$0x3], $0x2000, $0x38;
	[tilespmem:$0x4D00] =	vst v63  }
0xf1: {  	_ =	swait.ge [sflag:s3], $0x2000  }
0xf2: {  	[sflag:s3] =	ssyncset.done $0x0  }
0xf3: {  	[sflag:s3] =	ssyncadd.s32 $0xFFFFE000  }
0xf4: {  	[tilespmem:s4], [sflag:$0x2] =	stream.indirect.gather [hbm4b:s5+s8], $0x40, s10, s8, $0xb8;
	[tilespmem:$0x4D00] =	vst v63  }
0xf5: {  	_ =	swait.ge [sflag:s9], $0x2000  }
0xf6: {  	[sflag:s9] =	ssyncset.done $0x0  }
0xf7: {  	s0 =	rddreg [dreg:$0x1a];
	[sflag:s9] =	ssyncadd.s32 $0xFFFFE000  }
0xf8: {  	[hbm4b:s0+s2] =	stream.linear.scatter [tilespmem:s6], [sflag:$0x3], $0x2000, $0x38;
	[tilespmem:$0x4D00] =	vst v63  }
0xf9: {  	_ =	swait.ge [sflag:s3], $0x2000  }
0xfa: {  	[sflag:s3] =	ssyncset.done $0x0  }
0xfb: {  	[sflag:s3] =	ssyncadd.s32 $0xFFFFE000  }
0xfc: {  	p1 =	sne.s32 s1, $0x1;
	_ =	swait.ge [sflag:s7], $0x2000  }
.Ltmp1:
0xfd: {  	[sflag:s7] =	ssyncset.done $0x0;
	(pc) =	sbr.rel @!p1 .LBB2_3-.Ltmp1, $4  }
0xfe: {  	s0 =	rddreg [dreg:$0x1b];
	[sflag:s7] =	ssyncadd.s32 $0xFFFFE000  }
0xff: {  	[hbm4b:s0+s2] =	stream.linear.scatter [tilespmem:s4], [sflag:$0x3], $0x2000, $0x38;
	[tilespmem:$0x4D00] =	vst v63  }
0x100: {  	s1 =	sadd.s32 $0xFFFFFFFF, s1;
	_ =	swait.ge [sflag:s3], $0x2000  }
0x101: {  	p0 =	por $0x1, $0x1;
	s0 =	rddreg [dreg:$0x2];
	[sflag:s3] =	ssyncset.done $0x0  }
.LBB2_2:
0x102: {  	[sflag:s3] =	ssyncadd.s32 $0xFFFFE000  }
0x103: {  	[tilespmem:s2], [sflag:$0x3] =	stream.linear.gather [hbm4b:s0+s2], $0xD00, $0x38;
	[tilespmem:$0x4D00] =	vst v63  }
0x104: {  	_ =	swait.ge [sflag:s3], $0xD00  }
0x105: {  	[sflag:s3] =	ssyncset.done $0x0  }
0x106: {  	[sflag:s3] =	ssyncadd.s32 $0xFFFFF300  }
0x107: {  	[tilespmem:s6], [sflag:$0x1] =	stream.indirect.gather [hbm4b:s5+s8], $0x40, s2, s8, $0xb8;
	[tilespmem:$0x4D00] =	vst v63  }
0x108: {  	_ = 	snop  }
0x109: {  	[tilespmem:s4], [sflag:$0x2] =	stream.indirect.gather [hbm4b:s5+s8], $0x40, s8, s8, $0xb8;
	[tilespmem:$0x4D00] =	vst v63  }
0x10a: {  	_ =	swait.ge [sflag:s9], $0x2000  }
0x10b: {  	[sflag:s9] =	ssyncset.done $0x0  }
0x10c: {  	[sflag:s9] =	ssyncadd.s32 $0xFFFFE000  }
0x10d: {  	[hbm4b:s26+s2] =	stream.linear.scatter [tilespmem:s6], [sflag:$0x3], $0x2000, $0x38;
	[tilespmem:$0x4D00] =	vst v63  }
0x10e: {  	_ =	swait.ge [sflag:s3], $0x2000  }
0x10f: {  	[sflag:s3] =	ssyncset.done $0x0  }
0x110: {  	s0 =	rddreg [dreg:$0x1c];
	[sflag:s3] =	ssyncadd.s32 $0xFFFFE000  }
0x111: {  	[tilespmem:s6], [sflag:$0x1] =	stream.indirect.gather [hbm4b:s5+s8], $0x40, s0, s8, $0xb8;
	[tilespmem:$0x4D00] =	vst v63  }
0x112: {  	_ =	swait.ge [sflag:s7], $0x2000  }
0x113: {  	[sflag:s7] =	ssyncset.done $0x0  }
0x114: {  	s0 =	rddreg [dreg:$0x3];
	[sflag:s7] =	ssyncadd.s32 $0xFFFFE000  }
0x115: {  	[hbm4b:s0+s2] =	stream.linear.scatter [tilespmem:s4], [sflag:$0x3], $0x2000, $0x38;
	[tilespmem:$0x4D00] =	vst v63  }
0x116: {  	_ =	swait.ge [sflag:s3], $0x2000  }
0x117: {  	[sflag:s3] =	ssyncset.done $0x0  }
0x118: {  	s0 =	rddreg [dreg:$0x1d];
	[sflag:s3] =	ssyncadd.s32 $0xFFFFE000  }
0x119: {  	[tilespmem:s4], [sflag:$0x2] =	stream.indirect.gather [hbm4b:s5+s8], $0x40, s0, s8, $0xb8;
	[tilespmem:$0x4D00] =	vst v63  }
0x11a: {  	_ =	swait.ge [sflag:s9], $0x2000  }
0x11b: {  	[sflag:s9] =	ssyncset.done $0x0  }
0x11c: {  	s0 =	rddreg [dreg:$0x4];
	[sflag:s9] =	ssyncadd.s32 $0xFFFFE000  }
0x11d: {  	[hbm4b:s0+s2] =	stream.linear.scatter [tilespmem:s6], [sflag:$0x3], $0x2000, $0x38;
	[tilespmem:$0x4D00] =	vst v63  }
0x11e: {  	_ =	swait.ge [sflag:s3], $0x2000  }
0x11f: {  	[sflag:s3] =	ssyncset.done $0x0  }
0x120: {  	s0 =	rddreg [dreg:$0x1e];
	[sflag:s3] =	ssyncadd.s32 $0xFFFFE000  }
0x121: {  	[tilespmem:s6], [sflag:$0x1] =	stream.indirect.gather [hbm4b:s5+s8], $0x40, s0, s8, $0xb8;
	[tilespmem:$0x4D00] =	vst v63  }
0x122: {  	_ =	swait.ge [sflag:s7], $0x2000  }
0x123: {  	[sflag:s7] =	ssyncset.done $0x0  }
0x124: {  	s0 =	rddreg [dreg:$0x5];
	[sflag:s7] =	ssyncadd.s32 $0xFFFFE000  }
0x125: {  	[hbm4b:s0+s2] =	stream.linear.scatter [tilespmem:s4], [sflag:$0x3], $0x2000, $0x38;
	[tilespmem:$0x4D00] =	vst v63  }
0x126: {  	_ =	swait.ge [sflag:s3], $0x2000  }
0x127: {  	[sflag:s3] =	ssyncset.done $0x0  }
0x128: {  	s0 =	rddreg [dreg:$0x1f];
	[sflag:s3] =	ssyncadd.s32 $0xFFFFE000  }
0x129: {  	[tilespmem:s4], [sflag:$0x2] =	stream.indirect.gather [hbm4b:s5+s8], $0x40, s0, s8, $0xb8;
	[tilespmem:$0x4D00] =	vst v63  }
0x12a: {  	_ =	swait.ge [sflag:s9], $0x2000  }
0x12b: {  	[sflag:s9] =	ssyncset.done $0x0  }
0x12c: {  	s0 =	rddreg [dreg:$0x6];
	[sflag:s9] =	ssyncadd.s32 $0xFFFFE000  }
0x12d: {  	[hbm4b:s0+s2] =	stream.linear.scatter [tilespmem:s6], [sflag:$0x3], $0x2000, $0x38;
	[tilespmem:$0x4D00] =	vst v63  }
0x12e: {  	_ =	swait.ge [sflag:s3], $0x2000  }
0x12f: {  	[sflag:s3] =	ssyncset.done $0x0  }
0x130: {  	[sflag:s3] =	ssyncadd.s32 $0xFFFFE000  }
0x131: {  	[tilespmem:s6], [sflag:$0x1] =	stream.indirect.gather [hbm4b:s5+s8], $0x40, s31, s8, $0xb8;
	[tilespmem:$0x4D00] =	vst v63  }
0x132: {  	_ =	swait.ge [sflag:s7], $0x2000  }
0x133: {  	[sflag:s7] =	ssyncset.done $0x0  }
0x134: {  	s0 =	rddreg [dreg:$0x7];
	[sflag:s7] =	ssyncadd.s32 $0xFFFFE000  }
0x135: {  	[hbm4b:s0+s2] =	stream.linear.scatter [tilespmem:s4], [sflag:$0x3], $0x2000, $0x38;
	[tilespmem:$0x4D00] =	vst v63  }
0x136: {  	_ =	swait.ge [sflag:s3], $0x2000  }
0x137: {  	[sflag:s3] =	ssyncset.done $0x0  }
0x138: {  	[sflag:s3] =	ssyncadd.s32 $0xFFFFE000  }
0x139: {  	[tilespmem:s4], [sflag:$0x2] =	stream.indirect.gather [hbm4b:s5+s8], $0x40, s30, s8, $0xb8;
	[tilespmem:$0x4D00] =	vst v63  }
0x13a: {  	_ =	swait.ge [sflag:s9], $0x2000  }
0x13b: {  	[sflag:s9] =	ssyncset.done $0x0  }
0x13c: {  	s0 =	rddreg [dreg:$0x8];
	[sflag:s9] =	ssyncadd.s32 $0xFFFFE000  }
0x13d: {  	[hbm4b:s0+s2] =	stream.linear.scatter [tilespmem:s6], [sflag:$0x3], $0x2000, $0x38;
	[tilespmem:$0x4D00] =	vst v63  }
0x13e: {  	_ =	swait.ge [sflag:s3], $0x2000  }
0x13f: {  	[sflag:s3] =	ssyncset.done $0x0  }
0x140: {  	[sflag:s3] =	ssyncadd.s32 $0xFFFFE000  }
0x141: {  	[tilespmem:s6], [sflag:$0x1] =	stream.indirect.gather [hbm4b:s5+s8], $0x40, s29, s8, $0xb8;
	[tilespmem:$0x4D00] =	vst v63  }
0x142: {  	_ =	swait.ge [sflag:s7], $0x2000  }
0x143: {  	[sflag:s7] =	ssyncset.done $0x0  }
0x144: {  	s0 =	rddreg [dreg:$0x9];
	[sflag:s7] =	ssyncadd.s32 $0xFFFFE000  }
0x145: {  	[hbm4b:s0+s2] =	stream.linear.scatter [tilespmem:s4], [sflag:$0x3], $0x2000, $0x38;
	[tilespmem:$0x4D00] =	vst v63  }
0x146: {  	_ =	swait.ge [sflag:s3], $0x2000  }
0x147: {  	[sflag:s3] =	ssyncset.done $0x0  }
0x148: {  	[sflag:s3] =	ssyncadd.s32 $0xFFFFE000  }
0x149: {  	[tilespmem:s4], [sflag:$0x2] =	stream.indirect.gather [hbm4b:s5+s8], $0x40, s28, s8, $0xb8;
	[tilespmem:$0x4D00] =	vst v63  }
0x14a: {  	_ =	swait.ge [sflag:s9], $0x2000  }
0x14b: {  	[sflag:s9] =	ssyncset.done $0x0  }
0x14c: {  	s0 =	rddreg [dreg:$0xa];
	[sflag:s9] =	ssyncadd.s32 $0xFFFFE000  }
0x14d: {  	[hbm4b:s0+s2] =	stream.linear.scatter [tilespmem:s6], [sflag:$0x3], $0x2000, $0x38;
	[tilespmem:$0x4D00] =	vst v63  }
0x14e: {  	_ =	swait.ge [sflag:s3], $0x2000  }
0x14f: {  	[sflag:s3] =	ssyncset.done $0x0  }
0x150: {  	[sflag:s3] =	ssyncadd.s32 $0xFFFFE000  }
0x151: {  	[tilespmem:s6], [sflag:$0x1] =	stream.indirect.gather [hbm4b:s5+s8], $0x40, s25, s8, $0xb8;
	[tilespmem:$0x4D00] =	vst v63  }
0x152: {  	_ =	swait.ge [sflag:s7], $0x2000  }
0x153: {  	[sflag:s7] =	ssyncset.done $0x0  }
0x154: {  	s0 =	rddreg [dreg:$0xb];
	[sflag:s7] =	ssyncadd.s32 $0xFFFFE000  }
0x155: {  	[hbm4b:s0+s2] =	stream.linear.scatter [tilespmem:s4], [sflag:$0x3], $0x2000, $0x38;
	[tilespmem:$0x4D00] =	vst v63  }
0x156: {  	_ =	swait.ge [sflag:s3], $0x2000  }
0x157: {  	[sflag:s3] =	ssyncset.done $0x0  }
0x158: {  	[sflag:s3] =	ssyncadd.s32 $0xFFFFE000  }
0x159: {  	[tilespmem:s4], [sflag:$0x2] =	stream.indirect.gather [hbm4b:s5+s8], $0x40, s24, s8, $0xb8;
	[tilespmem:$0x4D00] =	vst v63  }
0x15a: {  	_ =	swait.ge [sflag:s9], $0x2000  }
0x15b: {  	[sflag:s9] =	ssyncset.done $0x0  }
0x15c: {  	s0 =	rddreg [dreg:$0xc];
	[sflag:s9] =	ssyncadd.s32 $0xFFFFE000  }
0x15d: {  	[hbm4b:s0+s2] =	stream.linear.scatter [tilespmem:s6], [sflag:$0x3], $0x2000, $0x38;
	[tilespmem:$0x4D00] =	vst v63  }
0x15e: {  	_ =	swait.ge [sflag:s3], $0x2000  }
0x15f: {  	[sflag:s3] =	ssyncset.done $0x0  }
0x160: {  	[sflag:s3] =	ssyncadd.s32 $0xFFFFE000  }
0x161: {  	[tilespmem:s6], [sflag:$0x1] =	stream.indirect.gather [hbm4b:s5+s8], $0x40, s23, s8, $0xb8;
	[tilespmem:$0x4D00] =	vst v63  }
0x162: {  	_ =	swait.ge [sflag:s7], $0x2000  }
0x163: {  	[sflag:s7] =	ssyncset.done $0x0  }
0x164: {  	s0 =	rddreg [dreg:$0xd];
	[sflag:s7] =	ssyncadd.s32 $0xFFFFE000  }
0x165: {  	[hbm4b:s0+s2] =	stream.linear.scatter [tilespmem:s4], [sflag:$0x3], $0x2000, $0x38;
	[tilespmem:$0x4D00] =	vst v63  }
0x166: {  	_ =	swait.ge [sflag:s3], $0x2000  }
0x167: {  	[sflag:s3] =	ssyncset.done $0x0  }
0x168: {  	[sflag:s3] =	ssyncadd.s32 $0xFFFFE000  }
0x169: {  	[tilespmem:s4], [sflag:$0x2] =	stream.indirect.gather [hbm4b:s5+s8], $0x40, s22, s8, $0xb8;
	[tilespmem:$0x4D00] =	vst v63  }
0x16a: {  	_ =	swait.ge [sflag:s9], $0x2000  }
0x16b: {  	[sflag:s9] =	ssyncset.done $0x0  }
0x16c: {  	s0 =	rddreg [dreg:$0xe];
	[sflag:s9] =	ssyncadd.s32 $0xFFFFE000  }
0x16d: {  	[hbm4b:s0+s2] =	stream.linear.scatter [tilespmem:s6], [sflag:$0x3], $0x2000, $0x38;
	[tilespmem:$0x4D00] =	vst v63  }
0x16e: {  	_ =	swait.ge [sflag:s3], $0x2000  }
0x16f: {  	[sflag:s3] =	ssyncset.done $0x0  }
0x170: {  	[sflag:s3] =	ssyncadd.s32 $0xFFFFE000  }
0x171: {  	[tilespmem:s6], [sflag:$0x1] =	stream.indirect.gather [hbm4b:s5+s8], $0x40, s21, s8, $0xb8;
	[tilespmem:$0x4D00] =	vst v63  }
0x172: {  	_ =	swait.ge [sflag:s7], $0x2000  }
0x173: {  	[sflag:s7] =	ssyncset.done $0x0  }
0x174: {  	s0 =	rddreg [dreg:$0xf];
	[sflag:s7] =	ssyncadd.s32 $0xFFFFE000  }
0x175: {  	[hbm4b:s0+s2] =	stream.linear.scatter [tilespmem:s4], [sflag:$0x3], $0x2000, $0x38;
	[tilespmem:$0x4D00] =	vst v63  }
0x176: {  	_ =	swait.ge [sflag:s3], $0x2000  }
0x177: {  	[sflag:s3] =	ssyncset.done $0x0  }
0x178: {  	[sflag:s3] =	ssyncadd.s32 $0xFFFFE000  }
0x179: {  	[tilespmem:s4], [sflag:$0x2] =	stream.indirect.gather [hbm4b:s5+s8], $0x40, s20, s8, $0xb8;
	[tilespmem:$0x4D00] =	vst v63  }
0x17a: {  	_ =	swait.ge [sflag:s9], $0x2000  }
0x17b: {  	[sflag:s9] =	ssyncset.done $0x0  }
0x17c: {  	s0 =	rddreg [dreg:$0x10];
	[sflag:s9] =	ssyncadd.s32 $0xFFFFE000  }
0x17d: {  	[hbm4b:s0+s2] =	stream.linear.scatter [tilespmem:s6], [sflag:$0x3], $0x2000, $0x38;
	[tilespmem:$0x4D00] =	vst v63  }
0x17e: {  	_ =	swait.ge [sflag:s3], $0x2000  }
0x17f: {  	[sflag:s3] =	ssyncset.done $0x0  }
0x180: {  	[sflag:s3] =	ssyncadd.s32 $0xFFFFE000  }
0x181: {  	[tilespmem:s6], [sflag:$0x1] =	stream.indirect.gather [hbm4b:s5+s8], $0x40, s19, s8, $0xb8;
	[tilespmem:$0x4D00] =	vst v63  }
0x182: {  	_ =	swait.ge [sflag:s7], $0x2000  }
0x183: {  	[sflag:s7] =	ssyncset.done $0x0  }
0x184: {  	s0 =	rddreg [dreg:$0x11];
	[sflag:s7] =	ssyncadd.s32 $0xFFFFE000  }
0x185: {  	[hbm4b:s0+s2] =	stream.linear.scatter [tilespmem:s4], [sflag:$0x3], $0x2000, $0x38;
	[tilespmem:$0x4D00] =	vst v63  }
0x186: {  	_ =	swait.ge [sflag:s3], $0x2000  }
0x187: {  	[sflag:s3] =	ssyncset.done $0x0  }
0x188: {  	[sflag:s3] =	ssyncadd.s32 $0xFFFFE000  }
0x189: {  	[tilespmem:s4], [sflag:$0x2] =	stream.indirect.gather [hbm4b:s5+s8], $0x40, s18, s8, $0xb8;
	[tilespmem:$0x4D00] =	vst v63  }
0x18a: {  	_ =	swait.ge [sflag:s9], $0x2000  }
0x18b: {  	[sflag:s9] =	ssyncset.done $0x0  }
0x18c: {  	s0 =	rddreg [dreg:$0x12];
	[sflag:s9] =	ssyncadd.s32 $0xFFFFE000  }
0x18d: {  	[hbm4b:s0+s2] =	stream.linear.scatter [tilespmem:s6], [sflag:$0x3], $0x2000, $0x38;
	[tilespmem:$0x4D00] =	vst v63  }
0x18e: {  	_ =	swait.ge [sflag:s3], $0x2000  }
0x18f: {  	[sflag:s3] =	ssyncset.done $0x0  }
0x190: {  	[sflag:s3] =	ssyncadd.s32 $0xFFFFE000  }
0x191: {  	[tilespmem:s6], [sflag:$0x1] =	stream.indirect.gather [hbm4b:s5+s8], $0x40, s17, s8, $0xb8;
	[tilespmem:$0x4D00] =	vst v63  }
0x192: {  	_ =	swait.ge [sflag:s7], $0x2000  }
0x193: {  	[sflag:s7] =	ssyncset.done $0x0  }
0x194: {  	s0 =	rddreg [dreg:$0x13];
	[sflag:s7] =	ssyncadd.s32 $0xFFFFE000  }
0x195: {  	[hbm4b:s0+s2] =	stream.linear.scatter [tilespmem:s4], [sflag:$0x3], $0x2000, $0x38;
	[tilespmem:$0x4D00] =	vst v63  }
0x196: {  	_ =	swait.ge [sflag:s3], $0x2000  }
0x197: {  	[sflag:s3] =	ssyncset.done $0x0  }
0x198: {  	[sflag:s3] =	ssyncadd.s32 $0xFFFFE000  }
0x199: {  	[tilespmem:s4], [sflag:$0x2] =	stream.indirect.gather [hbm4b:s5+s8], $0x40, s16, s8, $0xb8;
	[tilespmem:$0x4D00] =	vst v63  }
0x19a: {  	_ =	swait.ge [sflag:s9], $0x2000  }
0x19b: {  	[sflag:s9] =	ssyncset.done $0x0  }
0x19c: {  	s0 =	rddreg [dreg:$0x14];
	[sflag:s9] =	ssyncadd.s32 $0xFFFFE000  }
0x19d: {  	[hbm4b:s0+s2] =	stream.linear.scatter [tilespmem:s6], [sflag:$0x3], $0x2000, $0x38;
	[tilespmem:$0x4D00] =	vst v63  }
0x19e: {  	_ =	swait.ge [sflag:s3], $0x2000  }
0x19f: {  	[sflag:s3] =	ssyncset.done $0x0  }
0x1a0: {  	[sflag:s3] =	ssyncadd.s32 $0xFFFFE000  }
0x1a1: {  	[tilespmem:s6], [sflag:$0x1] =	stream.indirect.gather [hbm4b:s5+s8], $0x40, s15, s8, $0xb8;
	[tilespmem:$0x4D00] =	vst v63  }
0x1a2: {  	_ =	swait.ge [sflag:s7], $0x2000  }
0x1a3: {  	[sflag:s7] =	ssyncset.done $0x0  }
0x1a4: {  	s0 =	rddreg [dreg:$0x15];
	[sflag:s7] =	ssyncadd.s32 $0xFFFFE000  }
0x1a5: {  	[hbm4b:s0+s2] =	stream.linear.scatter [tilespmem:s4], [sflag:$0x3], $0x2000, $0x38;
	[tilespmem:$0x4D00] =	vst v63  }
0x1a6: {  	_ =	swait.ge [sflag:s3], $0x2000  }
0x1a7: {  	[sflag:s3] =	ssyncset.done $0x0  }
0x1a8: {  	[sflag:s3] =	ssyncadd.s32 $0xFFFFE000  }
0x1a9: {  	[tilespmem:s4], [sflag:$0x2] =	stream.indirect.gather [hbm4b:s5+s8], $0x40, s14, s8, $0xb8;
	[tilespmem:$0x4D00] =	vst v63  }
0x1aa: {  	_ =	swait.ge [sflag:s9], $0x2000  }
0x1ab: {  	[sflag:s9] =	ssyncset.done $0x0  }
0x1ac: {  	s0 =	rddreg [dreg:$0x16];
	[sflag:s9] =	ssyncadd.s32 $0xFFFFE000  }
0x1ad: {  	[hbm4b:s0+s2] =	stream.linear.scatter [tilespmem:s6], [sflag:$0x3], $0x2000, $0x38;
	[tilespmem:$0x4D00] =	vst v63  }
0x1ae: {  	_ =	swait.ge [sflag:s3], $0x2000  }
0x1af: {  	[sflag:s3] =	ssyncset.done $0x0  }
0x1b0: {  	[sflag:s3] =	ssyncadd.s32 $0xFFFFE000  }
0x1b1: {  	[tilespmem:s6], [sflag:$0x1] =	stream.indirect.gather [hbm4b:s5+s8], $0x40, s13, s8, $0xb8;
	[tilespmem:$0x4D00] =	vst v63  }
0x1b2: {  	_ =	swait.ge [sflag:s7], $0x2000  }
0x1b3: {  	[sflag:s7] =	ssyncset.done $0x0  }
0x1b4: {  	s0 =	rddreg [dreg:$0x17];
	[sflag:s7] =	ssyncadd.s32 $0xFFFFE000  }
0x1b5: {  	[hbm4b:s0+s2] =	stream.linear.scatter [tilespmem:s4], [sflag:$0x3], $0x2000, $0x38;
	[tilespmem:$0x4D00] =	vst v63  }
0x1b6: {  	_ =	swait.ge [sflag:s3], $0x2000  }
0x1b7: {  	[sflag:s3] =	ssyncset.done $0x0  }
0x1b8: {  	[sflag:s3] =	ssyncadd.s32 $0xFFFFE000  }
0x1b9: {  	[tilespmem:s4], [sflag:$0x2] =	stream.indirect.gather [hbm4b:s5+s8], $0x40, s12, s8, $0xb8;
	[tilespmem:$0x4D00] =	vst v63  }
0x1ba: {  	_ =	swait.ge [sflag:s9], $0x2000  }
0x1bb: {  	[sflag:s9] =	ssyncset.done $0x0  }
0x1bc: {  	s0 =	rddreg [dreg:$0x18];
	[sflag:s9] =	ssyncadd.s32 $0xFFFFE000  }
0x1bd: {  	[hbm4b:s0+s2] =	stream.linear.scatter [tilespmem:s6], [sflag:$0x3], $0x2000, $0x38;
	[tilespmem:$0x4D00] =	vst v63  }
0x1be: {  	_ =	swait.ge [sflag:s3], $0x2000  }
0x1bf: {  	[sflag:s3] =	ssyncset.done $0x0  }
0x1c0: {  	[sflag:s3] =	ssyncadd.s32 $0xFFFFE000  }
0x1c1: {  	[tilespmem:s6], [sflag:$0x1] =	stream.indirect.gather [hbm4b:s5+s8], $0x40, s11, s8, $0xb8;
	[tilespmem:$0x4D00] =	vst v63  }
0x1c2: {  	_ =	swait.ge [sflag:s7], $0x2000  }
0x1c3: {  	[sflag:s7] =	ssyncset.done $0x0  }
0x1c4: {  	s0 =	rddreg [dreg:$0x19];
	[sflag:s7] =	ssyncadd.s32 $0xFFFFE000  }
0x1c5: {  	[hbm4b:s0+s2] =	stream.linear.scatter [tilespmem:s4], [sflag:$0x3], $0x2000, $0x38;
	[tilespmem:$0x4D00] =	vst v63  }
0x1c6: {  	_ =	swait.ge [sflag:s3], $0x2000  }
0x1c7: {  	[sflag:s3] =	ssyncset.done $0x0  }
0x1c8: {  	[sflag:s3] =	ssyncadd.s32 $0xFFFFE000  }
0x1c9: {  	[tilespmem:s4], [sflag:$0x2] =	stream.indirect.gather [hbm4b:s5+s8], $0x40, s10, s8, $0xb8;
	[tilespmem:$0x4D00] =	vst v63  }
0x1ca: {  	_ =	swait.ge [sflag:s9], $0x2000  }
0x1cb: {  	[sflag:s9] =	ssyncset.done $0x0  }
0x1cc: {  	s0 =	rddreg [dreg:$0x1a];
	[sflag:s9] =	ssyncadd.s32 $0xFFFFE000  }
0x1cd: {  	[hbm4b:s0+s2] =	stream.linear.scatter [tilespmem:s6], [sflag:$0x3], $0x2000, $0x38;
	[tilespmem:$0x4D00] =	vst v63  }
0x1ce: {  	_ =	swait.ge [sflag:s3], $0x2000  }
0x1cf: {  	[sflag:s3] =	ssyncset.done $0x0  }
0x1d0: {  	[sflag:s3] =	ssyncadd.s32 $0xFFFFE000  }
0x1d1: {  	p1 =	sne.s32 s1, $0x1;
	_ =	swait.ge [sflag:s7], $0x2000  }
.Ltmp2:
0x1d2: {  	[sflag:s7] =	ssyncset.done $0x0;
	(pc) =	sbr.rel @p1 .LBB2_2-.Ltmp2, $4  }
0x1d3: {  	s0 =	rddreg [dreg:$0x1b];
	[sflag:s7] =	ssyncadd.s32 $0xFFFFE000  }
0x1d4: {  	[hbm4b:s0+s2] =	stream.linear.scatter [tilespmem:s4], [sflag:$0x3], $0x2000, $0x38;
	[tilespmem:$0x4D00] =	vst v63  }
0x1d5: {  	_ =	swait.ge [sflag:s3], $0x2000  }
0x1d6: {  	s1 =	sadd.s32 $0xFFFFFFFF, s1;
	s0 =	rddreg [dreg:$0x2];
	[sflag:s3] =	ssyncset.done $0x0  }
.LBB2_3:
0x1d7: {  	[sflag:s3] =	ssyncadd.s32 @p0 $0xFFFFE000  }
0x1d8: {  	[tilespmem:s2], [sflag:$0x3] =	stream.linear.gather [hbm4b:s0+s2], $0xD00, $0x38;
	[tilespmem:$0x4D00] =	vst v63  }
0x1d9: {  	_ =	swait.ge [sflag:s3], $0xD00  }
0x1da: {  	[sflag:s3] =	ssyncset.done $0x0  }
0x1db: {  	[sflag:s3] =	ssyncadd.s32 $0xFFFFF300  }
0x1dc: {  	[tilespmem:s6], [sflag:$0x1] =	stream.indirect.gather [hbm4b:s5+s8], $0x40, s2, s8, $0xb8;
	[tilespmem:$0x4D00] =	vst v63  }
0x1dd: {  	_ = 	snop  }
0x1de: {  	[tilespmem:s4], [sflag:$0x2] =	stream.indirect.gather [hbm4b:s5+s8], $0x40, s8, s8, $0xb8;
	[tilespmem:$0x4D00] =	vst v63  }
0x1df: {  	_ =	swait.ge [sflag:s9], $0x2000  }
0x1e0: {  	[sflag:s9] =	ssyncset.done $0x0  }
0x1e1: {  	[sflag:s9] =	ssyncadd.s32 $0xFFFFE000  }
0x1e2: {  	[hbm4b:s26+s2] =	stream.linear.scatter [tilespmem:s6], [sflag:$0x3], $0x2000, $0x38;
	[tilespmem:$0x4D00] =	vst v63  }
0x1e3: {  	_ =	swait.ge [sflag:s3], $0x2000  }
0x1e4: {  	[sflag:s3] =	ssyncset.done $0x0  }
0x1e5: {  	s26 =	rddreg [dreg:$0x1c];
	[sflag:s3] =	ssyncadd.s32 $0xFFFFE000  }
0x1e6: {  	[tilespmem:s6], [sflag:$0x1] =	stream.indirect.gather [hbm4b:s5+s8], $0x40, s26, s8, $0xb8;
	[tilespmem:$0x4D00] =	vst v63  }
0x1e7: {  	_ =	swait.ge [sflag:s7], $0x2000  }
0x1e8: {  	[sflag:s7] =	ssyncset.done $0x0  }
0x1e9: {  	s1 =	rddreg [dreg:$0x3];
	[sflag:s7] =	ssyncadd.s32 $0xFFFFE000  }
0x1ea: {  	[hbm4b:s1+s2] =	stream.linear.scatter [tilespmem:s4], [sflag:$0x3], $0x2000, $0x38;
	[tilespmem:$0x4D00] =	vst v63  }
0x1eb: {  	_ =	swait.ge [sflag:s3], $0x2000  }
0x1ec: {  	[sflag:s3] =	ssyncset.done $0x0  }
0x1ed: {  	s26 =	rddreg [dreg:$0x1d];
	[sflag:s3] =	ssyncadd.s32 $0xFFFFE000  }
0x1ee: {  	[tilespmem:s4], [sflag:$0x2] =	stream.indirect.gather [hbm4b:s5+s8], $0x40, s26, s8, $0xb8;
	[tilespmem:$0x4D00] =	vst v63  }
0x1ef: {  	_ =	swait.ge [sflag:s9], $0x2000  }
0x1f0: {  	[sflag:s9] =	ssyncset.done $0x0  }
0x1f1: {  	s1 =	rddreg [dreg:$0x4];
	[sflag:s9] =	ssyncadd.s32 $0xFFFFE000  }
0x1f2: {  	[hbm4b:s1+s2] =	stream.linear.scatter [tilespmem:s6], [sflag:$0x3], $0x2000, $0x38;
	[tilespmem:$0x4D00] =	vst v63  }
0x1f3: {  	_ =	swait.ge [sflag:s3], $0x2000  }
0x1f4: {  	[sflag:s3] =	ssyncset.done $0x0  }
0x1f5: {  	s26 =	rddreg [dreg:$0x1e];
	[sflag:s3] =	ssyncadd.s32 $0xFFFFE000  }
0x1f6: {  	[tilespmem:s6], [sflag:$0x1] =	stream.indirect.gather [hbm4b:s5+s8], $0x40, s26, s8, $0xb8;
	[tilespmem:$0x4D00] =	vst v63  }
0x1f7: {  	_ =	swait.ge [sflag:s7], $0x2000  }
0x1f8: {  	[sflag:s7] =	ssyncset.done $0x0  }
0x1f9: {  	s1 =	rddreg [dreg:$0x5];
	[sflag:s7] =	ssyncadd.s32 $0xFFFFE000  }
0x1fa: {  	[hbm4b:s1+s2] =	stream.linear.scatter [tilespmem:s4], [sflag:$0x3], $0x2000, $0x38;
	[tilespmem:$0x4D00] =	vst v63  }
0x1fb: {  	_ =	swait.ge [sflag:s3], $0x2000  }
0x1fc: {  	[sflag:s3] =	ssyncset.done $0x0  }
0x1fd: {  	s26 =	rddreg [dreg:$0x1f];
	[sflag:s3] =	ssyncadd.s32 $0xFFFFE000  }
0x1fe: {  	[tilespmem:s4], [sflag:$0x2] =	stream.indirect.gather [hbm4b:s5+s8], $0x40, s26, s8, $0xb8;
	[tilespmem:$0x4D00] =	vst v63  }
0x1ff: {  	_ =	swait.ge [sflag:s9], $0x2000  }
0x200: {  	[sflag:s9] =	ssyncset.done $0x0  }
0x201: {  	s1 =	rddreg [dreg:$0x6];
	[sflag:s9] =	ssyncadd.s32 $0xFFFFE000  }
0x202: {  	[hbm4b:s1+s2] =	stream.linear.scatter [tilespmem:s6], [sflag:$0x3], $0x2000, $0x38;
	[tilespmem:$0x4D00] =	vst v63  }
0x203: {  	_ =	swait.ge [sflag:s3], $0x2000  }
0x204: {  	[sflag:s3] =	ssyncset.done $0x0  }
0x205: {  	[sflag:s3] =	ssyncadd.s32 $0xFFFFE000  }
0x206: {  	[tilespmem:s6], [sflag:$0x1] =	stream.indirect.gather [hbm4b:s5+s8], $0x40, s31, s8, $0xb8;
	[tilespmem:$0x4D00] =	vst v63  }
0x207: {  	_ =	swait.ge [sflag:s7], $0x2000  }
0x208: {  	[sflag:s7] =	ssyncset.done $0x0  }
0x209: {  	s26 =	rddreg [dreg:$0x7];
	[sflag:s7] =	ssyncadd.s32 $0xFFFFE000  }
0x20a: {  	[hbm4b:s26+s2] =	stream.linear.scatter [tilespmem:s4], [sflag:$0x3], $0x2000, $0x38;
	[tilespmem:$0x4D00] =	vst v63  }
0x20b: {  	_ =	swait.ge [sflag:s3], $0x2000  }
0x20c: {  	[sflag:s3] =	ssyncset.done $0x0  }
0x20d: {  	[sflag:s3] =	ssyncadd.s32 $0xFFFFE000  }
0x20e: {  	[tilespmem:s4], [sflag:$0x2] =	stream.indirect.gather [hbm4b:s5+s8], $0x40, s30, s8, $0xb8;
	[tilespmem:$0x4D00] =	vst v63  }
0x20f: {  	_ =	swait.ge [sflag:s9], $0x2000  }
0x210: {  	[sflag:s9] =	ssyncset.done $0x0  }
0x211: {  	s30 =	rddreg [dreg:$0x8];
	[sflag:s9] =	ssyncadd.s32 $0xFFFFE000  }
0x212: {  	[hbm4b:s30+s2] =	stream.linear.scatter [tilespmem:s6], [sflag:$0x3], $0x2000, $0x38;
	[tilespmem:$0x4D00] =	vst v63  }
0x213: {  	_ =	swait.ge [sflag:s3], $0x2000  }
0x214: {  	[sflag:s3] =	ssyncset.done $0x0  }
0x215: {  	[sflag:s3] =	ssyncadd.s32 $0xFFFFE000  }
0x216: {  	[tilespmem:s6], [sflag:$0x1] =	stream.indirect.gather [hbm4b:s5+s8], $0x40, s29, s8, $0xb8;
	[tilespmem:$0x4D00] =	vst v63  }
0x217: {  	_ =	swait.ge [sflag:s7], $0x2000  }
0x218: {  	[sflag:s7] =	ssyncset.done $0x0  }
0x219: {  	s31 =	rddreg [dreg:$0x9];
	[sflag:s7] =	ssyncadd.s32 $0xFFFFE000  }
0x21a: {  	[hbm4b:s31+s2] =	stream.linear.scatter [tilespmem:s4], [sflag:$0x3], $0x2000, $0x38;
	[tilespmem:$0x4D00] =	vst v63  }
0x21b: {  	_ =	swait.ge [sflag:s3], $0x2000  }
0x21c: {  	[sflag:s3] =	ssyncset.done $0x0  }
0x21d: {  	[sflag:s3] =	ssyncadd.s32 $0xFFFFE000  }
0x21e: {  	[tilespmem:s4], [sflag:$0x2] =	stream.indirect.gather [hbm4b:s5+s8], $0x40, s28, s8, $0xb8;
	[tilespmem:$0x4D00] =	vst v63  }
0x21f: {  	_ =	swait.ge [sflag:s9], $0x2000  }
0x220: {  	[sflag:s9] =	ssyncset.done $0x0  }
0x221: {  	s1 =	rddreg [dreg:$0xa];
	[sflag:s9] =	ssyncadd.s32 $0xFFFFE000  }
0x222: {  	[hbm4b:s1+s2] =	stream.linear.scatter [tilespmem:s6], [sflag:$0x3], $0x2000, $0x38;
	[tilespmem:$0x4D00] =	vst v63  }
0x223: {  	_ =	swait.ge [sflag:s3], $0x2000  }
0x224: {  	[sflag:s3] =	ssyncset.done $0x0  }
0x225: {  	[sflag:s3] =	ssyncadd.s32 $0xFFFFE000  }
0x226: {  	[tilespmem:s6], [sflag:$0x1] =	stream.indirect.gather [hbm4b:s5+s8], $0x40, s25, s8, $0xb8;
	[tilespmem:$0x4D00] =	vst v63  }
0x227: {  	_ =	swait.ge [sflag:s7], $0x2000  }
0x228: {  	[sflag:s7] =	ssyncset.done $0x0  }
0x229: {  	s26 =	rddreg [dreg:$0xb];
	[sflag:s7] =	ssyncadd.s32 $0xFFFFE000  }
0x22a: {  	[hbm4b:s26+s2] =	stream.linear.scatter [tilespmem:s4], [sflag:$0x3], $0x2000, $0x38;
	[tilespmem:$0x4D00] =	vst v63  }
0x22b: {  	_ =	swait.ge [sflag:s3], $0x2000  }
0x22c: {  	[sflag:s3] =	ssyncset.done $0x0  }
0x22d: {  	[sflag:s3] =	ssyncadd.s32 $0xFFFFE000  }
0x22e: {  	[tilespmem:s4], [sflag:$0x2] =	stream.indirect.gather [hbm4b:s5+s8], $0x40, s24, s8, $0xb8;
	[tilespmem:$0x4D00] =	vst v63  }
0x22f: {  	_ =	swait.ge [sflag:s9], $0x2000  }
0x230: {  	[sflag:s9] =	ssyncset.done $0x0  }
0x231: {  	s28 =	rddreg [dreg:$0xc];
	[sflag:s9] =	ssyncadd.s32 $0xFFFFE000  }
0x232: {  	[hbm4b:s28+s2] =	stream.linear.scatter [tilespmem:s6], [sflag:$0x3], $0x2000, $0x38;
	[tilespmem:$0x4D00] =	vst v63  }
0x233: {  	_ =	swait.ge [sflag:s3], $0x2000  }
0x234: {  	[sflag:s3] =	ssyncset.done $0x0  }
0x235: {  	[sflag:s3] =	ssyncadd.s32 $0xFFFFE000  }
0x236: {  	[tilespmem:s6], [sflag:$0x1] =	stream.indirect.gather [hbm4b:s5+s8], $0x40, s23, s8, $0xb8;
	[tilespmem:$0x4D00] =	vst v63  }
0x237: {  	_ =	swait.ge [sflag:s7], $0x2000  }
0x238: {  	[sflag:s7] =	ssyncset.done $0x0  }
0x239: {  	s29 =	rddreg [dreg:$0xd];
	[sflag:s7] =	ssyncadd.s32 $0xFFFFE000  }
0x23a: {  	[hbm4b:s29+s2] =	stream.linear.scatter [tilespmem:s4], [sflag:$0x3], $0x2000, $0x38;
	[tilespmem:$0x4D00] =	vst v63  }
0x23b: {  	_ =	swait.ge [sflag:s3], $0x2000  }
0x23c: {  	[sflag:s3] =	ssyncset.done $0x0  }
0x23d: {  	[sflag:s3] =	ssyncadd.s32 $0xFFFFE000  }
0x23e: {  	[tilespmem:s4], [sflag:$0x2] =	stream.indirect.gather [hbm4b:s5+s8], $0x40, s22, s8, $0xb8;
	[tilespmem:$0x4D00] =	vst v63  }
0x23f: {  	_ =	swait.ge [sflag:s9], $0x2000  }
0x240: {  	[sflag:s9] =	ssyncset.done $0x0  }
0x241: {  	s30 =	rddreg [dreg:$0xe];
	[sflag:s9] =	ssyncadd.s32 $0xFFFFE000  }
0x242: {  	[hbm4b:s30+s2] =	stream.linear.scatter [tilespmem:s6], [sflag:$0x3], $0x2000, $0x38;
	[tilespmem:$0x4D00] =	vst v63  }
0x243: {  	_ =	swait.ge [sflag:s3], $0x2000  }
0x244: {  	[sflag:s3] =	ssyncset.done $0x0  }
0x245: {  	[sflag:s3] =	ssyncadd.s32 $0xFFFFE000  }
0x246: {  	[tilespmem:s6], [sflag:$0x1] =	stream.indirect.gather [hbm4b:s5+s8], $0x40, s21, s8, $0xb8;
	[tilespmem:$0x4D00] =	vst v63  }
0x247: {  	_ =	swait.ge [sflag:s7], $0x2000  }
0x248: {  	[sflag:s7] =	ssyncset.done $0x0  }
0x249: {  	s31 =	rddreg [dreg:$0xf];
	[sflag:s7] =	ssyncadd.s32 $0xFFFFE000  }
0x24a: {  	[hbm4b:s31+s2] =	stream.linear.scatter [tilespmem:s4], [sflag:$0x3], $0x2000, $0x38;
	[tilespmem:$0x4D00] =	vst v63  }
0x24b: {  	_ =	swait.ge [sflag:s3], $0x2000  }
0x24c: {  	[sflag:s3] =	ssyncset.done $0x0  }
0x24d: {  	[sflag:s3] =	ssyncadd.s32 $0xFFFFE000  }
0x24e: {  	[tilespmem:s4], [sflag:$0x2] =	stream.indirect.gather [hbm4b:s5+s8], $0x40, s20, s8, $0xb8;
	[tilespmem:$0x4D00] =	vst v63  }
0x24f: {  	_ =	swait.ge [sflag:s9], $0x2000  }
0x250: {  	[sflag:s9] =	ssyncset.done $0x0  }
0x251: {  	s1 =	rddreg [dreg:$0x10];
	[sflag:s9] =	ssyncadd.s32 $0xFFFFE000  }
0x252: {  	[hbm4b:s1+s2] =	stream.linear.scatter [tilespmem:s6], [sflag:$0x3], $0x2000, $0x38;
	[tilespmem:$0x4D00] =	vst v63  }
0x253: {  	_ =	swait.ge [sflag:s3], $0x2000  }
0x254: {  	[sflag:s3] =	ssyncset.done $0x0  }
0x255: {  	[sflag:s3] =	ssyncadd.s32 $0xFFFFE000  }
0x256: {  	[tilespmem:s6], [sflag:$0x1] =	stream.indirect.gather [hbm4b:s5+s8], $0x40, s19, s8, $0xb8;
	[tilespmem:$0x4D00] =	vst v63  }
0x257: {  	_ =	swait.ge [sflag:s7], $0x2000  }
0x258: {  	[sflag:s7] =	ssyncset.done $0x0  }
0x259: {  	s19 =	rddreg [dreg:$0x11];
	[sflag:s7] =	ssyncadd.s32 $0xFFFFE000  }
0x25a: {  	[hbm4b:s19+s2] =	stream.linear.scatter [tilespmem:s4], [sflag:$0x3], $0x2000, $0x38;
	[tilespmem:$0x4D00] =	vst v63  }
0x25b: {  	_ =	swait.ge [sflag:s3], $0x2000  }
0x25c: {  	[sflag:s3] =	ssyncset.done $0x0  }
0x25d: {  	[sflag:s3] =	ssyncadd.s32 $0xFFFFE000  }
0x25e: {  	[tilespmem:s4], [sflag:$0x2] =	stream.indirect.gather [hbm4b:s5+s8], $0x40, s18, s8, $0xb8;
	[tilespmem:$0x4D00] =	vst v63  }
0x25f: {  	_ =	swait.ge [sflag:s9], $0x2000  }
0x260: {  	[sflag:s9] =	ssyncset.done $0x0  }
0x261: {  	s20 =	rddreg [dreg:$0x12];
	[sflag:s9] =	ssyncadd.s32 $0xFFFFE000  }
0x262: {  	[hbm4b:s20+s2] =	stream.linear.scatter [tilespmem:s6], [sflag:$0x3], $0x2000, $0x38;
	[tilespmem:$0x4D00] =	vst v63  }
0x263: {  	_ =	swait.ge [sflag:s3], $0x2000  }
0x264: {  	[sflag:s3] =	ssyncset.done $0x0  }
0x265: {  	[sflag:s3] =	ssyncadd.s32 $0xFFFFE000  }
0x266: {  	[tilespmem:s6], [sflag:$0x1] =	stream.indirect.gather [hbm4b:s5+s8], $0x40, s17, s8, $0xb8;
	[tilespmem:$0x4D00] =	vst v63  }
0x267: {  	_ =	swait.ge [sflag:s7], $0x2000  }
0x268: {  	[sflag:s7] =	ssyncset.done $0x0  }
0x269: {  	s21 =	rddreg [dreg:$0x13];
	[sflag:s7] =	ssyncadd.s32 $0xFFFFE000  }
0x26a: {  	[hbm4b:s21+s2] =	stream.linear.scatter [tilespmem:s4], [sflag:$0x3], $0x2000, $0x38;
	[tilespmem:$0x4D00] =	vst v63  }
0x26b: {  	_ =	swait.ge [sflag:s3], $0x2000  }
0x26c: {  	[sflag:s3] =	ssyncset.done $0x0  }
0x26d: {  	[sflag:s3] =	ssyncadd.s32 $0xFFFFE000  }
0x26e: {  	[tilespmem:s4], [sflag:$0x2] =	stream.indirect.gather [hbm4b:s5+s8], $0x40, s16, s8, $0xb8;
	[tilespmem:$0x4D00] =	vst v63  }
0x26f: {  	_ =	swait.ge [sflag:s9], $0x2000  }
0x270: {  	[sflag:s9] =	ssyncset.done $0x0  }
0x271: {  	s22 =	rddreg [dreg:$0x14];
	[sflag:s9] =	ssyncadd.s32 $0xFFFFE000  }
0x272: {  	[hbm4b:s22+s2] =	stream.linear.scatter [tilespmem:s6], [sflag:$0x3], $0x2000, $0x38;
	[tilespmem:$0x4D00] =	vst v63  }
0x273: {  	_ =	swait.ge [sflag:s3], $0x2000  }
0x274: {  	[sflag:s3] =	ssyncset.done $0x0  }
0x275: {  	[sflag:s3] =	ssyncadd.s32 $0xFFFFE000  }
0x276: {  	[tilespmem:s6], [sflag:$0x1] =	stream.indirect.gather [hbm4b:s5+s8], $0x40, s15, s8, $0xb8;
	[tilespmem:$0x4D00] =	vst v63  }
0x277: {  	_ =	swait.ge [sflag:s7], $0x2000  }
0x278: {  	[sflag:s7] =	ssyncset.done $0x0  }
0x279: {  	s23 =	rddreg [dreg:$0x15];
	[sflag:s7] =	ssyncadd.s32 $0xFFFFE000  }
0x27a: {  	[hbm4b:s23+s2] =	stream.linear.scatter [tilespmem:s4], [sflag:$0x3], $0x2000, $0x38;
	[tilespmem:$0x4D00] =	vst v63  }
0x27b: {  	_ =	swait.ge [sflag:s3], $0x2000  }
0x27c: {  	[sflag:s3] =	ssyncset.done $0x0  }
0x27d: {  	[sflag:s3] =	ssyncadd.s32 $0xFFFFE000  }
0x27e: {  	[tilespmem:s4], [sflag:$0x2] =	stream.indirect.gather [hbm4b:s5+s8], $0x40, s14, s8, $0xb8;
	[tilespmem:$0x4D00] =	vst v63  }
0x27f: {  	_ =	swait.ge [sflag:s9], $0x2000  }
0x280: {  	[sflag:s9] =	ssyncset.done $0x0  }
0x281: {  	s24 =	rddreg [dreg:$0x16];
	[sflag:s9] =	ssyncadd.s32 $0xFFFFE000  }
0x282: {  	[hbm4b:s24+s2] =	stream.linear.scatter [tilespmem:s6], [sflag:$0x3], $0x2000, $0x38;
	[tilespmem:$0x4D00] =	vst v63  }
0x283: {  	_ =	swait.ge [sflag:s3], $0x2000  }
0x284: {  	[sflag:s3] =	ssyncset.done $0x0  }
0x285: {  	[sflag:s3] =	ssyncadd.s32 $0xFFFFE000  }
0x286: {  	[tilespmem:s6], [sflag:$0x1] =	stream.indirect.gather [hbm4b:s5+s8], $0x40, s13, s8, $0xb8;
	[tilespmem:$0x4D00] =	vst v63  }
0x287: {  	_ =	swait.ge [sflag:s7], $0x2000  }
0x288: {  	[sflag:s7] =	ssyncset.done $0x0  }
0x289: {  	s25 =	rddreg [dreg:$0x17];
	[sflag:s7] =	ssyncadd.s32 $0xFFFFE000  }
0x28a: {  	[hbm4b:s25+s2] =	stream.linear.scatter [tilespmem:s4], [sflag:$0x3], $0x2000, $0x38;
	[tilespmem:$0x4D00] =	vst v63  }
0x28b: {  	_ =	swait.ge [sflag:s3], $0x2000  }
0x28c: {  	[sflag:s3] =	ssyncset.done $0x0  }
0x28d: {  	[sflag:s3] =	ssyncadd.s32 $0xFFFFE000  }
0x28e: {  	[tilespmem:s4], [sflag:$0x2] =	stream.indirect.gather [hbm4b:s5+s8], $0x40, s12, s8, $0xb8;
	[tilespmem:$0x4D00] =	vst v63  }
0x28f: {  	_ =	swait.ge [sflag:s9], $0x2000  }
0x290: {  	[sflag:s9] =	ssyncset.done $0x0  }
0x291: {  	s26 =	rddreg [dreg:$0x18];
	[sflag:s9] =	ssyncadd.s32 $0xFFFFE000  }
0x292: {  	[hbm4b:s26+s2] =	stream.linear.scatter [tilespmem:s6], [sflag:$0x3], $0x2000, $0x38;
	[tilespmem:$0x4D00] =	vst v63  }
0x293: {  	_ =	swait.ge [sflag:s3], $0x2000  }
0x294: {  	[sflag:s3] =	ssyncset.done $0x0  }
0x295: {  	[sflag:s3] =	ssyncadd.s32 $0xFFFFE000  }
0x296: {  	[tilespmem:s6], [sflag:$0x1] =	stream.indirect.gather [hbm4b:s5+s8], $0x40, s11, s8, $0xb8;
	[tilespmem:$0x4D00] =	vst v63  }
0x297: {  	_ =	swait.ge [sflag:s7], $0x2000  }
0x298: {  	[sflag:s7] =	ssyncset.done $0x0  }
0x299: {  	s28 =	rddreg [dreg:$0x19];
	[sflag:s7] =	ssyncadd.s32 $0xFFFFE000  }
0x29a: {  	[hbm4b:s28+s2] =	stream.linear.scatter [tilespmem:s4], [sflag:$0x3], $0x2000, $0x38;
	[tilespmem:$0x4D00] =	vst v63  }
0x29b: {  	_ =	swait.ge [sflag:s3], $0x2000  }
0x29c: {  	[sflag:s3] =	ssyncset.done $0x0  }
0x29d: {  	[sflag:s3] =	ssyncadd.s32 $0xFFFFE000  }
0x29e: {  	[tilespmem:s4], [sflag:$0x2] =	stream.indirect.gather [hbm4b:s5+s8], $0x40, s10, s8, $0xb8;
	[tilespmem:$0x4D00] =	vst v63  }
0x29f: {  	_ =	swait.ge [sflag:s9], $0x2000  }
0x2a0: {  	[sflag:s9] =	ssyncset.done $0x0  }
0x2a1: {  	s29 =	rddreg [dreg:$0x1a];
	[sflag:s9] =	ssyncadd.s32 $0xFFFFE000  }
0x2a2: {  	[hbm4b:s29+s2] =	stream.linear.scatter [tilespmem:s6], [sflag:$0x3], $0x2000, $0x38;
	[tilespmem:$0x4D00] =	vst v63  }
0x2a3: {  	_ =	swait.ge [sflag:s3], $0x2000  }
0x2a4: {  	[sflag:s3] =	ssyncset.done $0x0  }
0x2a5: {  	[sflag:s3] =	ssyncadd.s32 $0xFFFFE000  }
0x2a6: {  	_ =	swait.ge [sflag:s7], $0x2000  }
0x2a7: {  	[sflag:s7] =	ssyncset.done $0x0  }
0x2a8: {  	s30 =	rddreg [dreg:$0x1b];
	[sflag:s7] =	ssyncadd.s32 $0xFFFFE000  }
0x2a9: {  	[hbm4b:s30+s2] =	stream.linear.scatter [tilespmem:s4], [sflag:$0x3], $0x2000, $0x38;
	[tilespmem:$0x4D00] =	vst v63  }
0x2aa: {  	_ =	swait.ge [sflag:s3], $0x2000  }
0x2ab: {  	[sflag:s3] =	ssyncset.done $0x0  }
0x2ac: {  	[sflag:s3] =	ssyncadd.s32 $0xFFFFE000  }
0x2ad: {  	_ =	sfence.sel $0x180000  }
0x2ae: {  	[bflag:$0x0] =	sbarrier.arrive $0xFFFF  }
0x2af: {  	_ =	strace $0x90000047  }
0x2b0: {  	s31 =	stileid.u32;
	[bflag:$0x2] =	sbarrier.arrive $0xFFFF  }
0x2b1: {  	p0 =	sne.s32 s31, $0x0;
	s0 =	rddreg [dreg:$0x1]  }
0x2b2: {  	s0 =	sadd.s32 @!p0 $0x100000, s0  }
0x2b3: {  	[sflag:s0] =	ssyncadd.tile.s32 @!p0 $0x1;
	_ =	shalt  }
.Lfunc_end2:
_tile_overlayer_lowered:
.L_overlay_start_2:
0x2b4: {  	(tag) =	ssettag $0x2  }
0x2b5: {  	s0 =	rddreg [dreg:$0x0];
	s2 =	stileid.u32  }
0x2b6: {  	s1 =	rddreg [dreg:$0x1];
	p0 =	sne.s32 s2, $0x0  }
0x2b7: {  	s3 =	rddreg [dreg:$0x2];
	[bflag:$0x3] =	sbarrier.arrive $0xFFFF;
	s2 =	simm.s32 @!p0 $0x1C03  }
0x2b8: {  	[timem:s3], [sflag:s2] =	dma.local @!p0 [hbm:s0], s1  }
0x2b9: {  	s0 =	simm.s32 @!p0 $0x3  }
0x2ba: {  	_ =	swait.ge @!p0 [sflag:s0], s1  }
0x2bb: {  	s1 =	ssub.s32 @!p0 $0x0, s1;
	[sflag:s0] =	ssyncset.done @!p0 $0x0  }
0x2bc: {  	[sflag:s0] =	ssyncadd.s32 @!p0 s1  }
0x2bd: {  	[bflag:$0x3] =	sbarrier.arrive $0xFFFF  }
0x2be: {  	_ =	shalt  }

</sc_bundles>
